<compile_context>
chip_gen: v7x
topology: tpu7x:2x2x1
jax: 0.10.2.dev20260603
libtpu: 0.0.44.dev20260713+nightly
codegen_flags: <defaults>
</compile_context>

<pallas_src>
import functools

import jax
import jax.numpy as jnp
from jax import lax
from jax.experimental import pallas as pl
from jax.experimental.pallas import tpu as pltpu
from jax.experimental.pallas import tpu_sc as plsc

_INFO = plsc.get_sparse_core_info()
_NC = _INFO.num_cores
_NS = _INFO.num_subcores
_NW = _NC * _NS

_NB = 6


def _gather_call(positions_flat, weight, chunk):
    b_total = positions_flat.shape[0]
    d = weight.shape[1]
    b_per_w = b_total // _NW
    nchunk = b_per_w // chunk
    nouter = nchunk // _NB
    ntail = nchunk - nouter * _NB
    pos3 = positions_flat.reshape(_NW, nchunk, chunk)
    mesh = plsc.VectorSubcoreMesh(core_axis_name="c", subcore_axis_name="s")

    scratch = (
        [pltpu.VMEM((nchunk, chunk), jnp.int32)]
        + [pltpu.VMEM((chunk, d), jnp.float32) for _ in range(_NB)]
        + [pltpu.SemaphoreType.DMA for _ in range(2 * _NB)]
    )

    @functools.partial(
        pl.kernel,
        mesh=mesh,
        out_type=jax.ShapeDtypeStruct((b_total, d), jnp.float32),
        scratch_types=scratch,
    )
    def gather_kernel(pos_hbm, table_hbm, out_hbm, idx_v, *rest):
        bufs = rest[:_NB]
        gsems = rest[_NB:2 * _NB]
        wsems = rest[2 * _NB:]

        wid = lax.axis_index("s") * _NC + lax.axis_index("c")
        base = wid * b_per_w
        pltpu.sync_copy(pos_hbm.at[wid], idx_v)

        def start_g(c, b):
            pltpu.async_copy(table_hbm.at[idx_v.at[c]], bufs[b], gsems[b])

        def wait_g(c, b):
            pltpu.make_async_copy(table_hbm.at[idx_v.at[c]], bufs[b],
                                  gsems[b]).wait()

        def start_w(c, b):
            pltpu.async_copy(bufs[b], out_hbm.at[pl.ds(base + c * chunk, chunk)],
                             wsems[b])

        def wait_w(b):
            pltpu.make_async_copy(bufs[b], out_hbm.at[pl.ds(base, chunk)],
                                  wsems[b]).wait()

        for b in range(_NB):
            start_g(b, b)

        def slot(c, b, rearm_pred):
            pb = (b - 1) % _NB

            @pl.when(rearm_pred)
            def _():
                wait_w(pb)
                start_g(c - 1 + _NB, pb)

            wait_g(c, b)
            start_w(c, b)

        def body(o, carry):
            for b in range(_NB):
                c = o * _NB + b
                pred = (c >= 1) & (c - 1 + _NB < nchunk)
                slot(c, b, pred)
            return carry

        lax.fori_loop(0, nouter, body, 0)

        for t in range(ntail):
            c = nouter * _NB + t
            slot(c, c % _NB, (c >= 1) & (c - 1 + _NB < nchunk))

        for b in range(_NB):
            wait_w(b)

    return gather_kernel(pos3, weight)


def kernel(positions, weight):
    flat = positions.reshape(-1)
    out = _gather_call(flat, weight, chunk=16)
    return out.reshape(positions.shape + (weight.shape[1],))

# --- scband reference (transcript-rebuilt; emitter-appended) ---
"""Pipeline reference for scband-simple-sinusoidal-positional-embedding-56238301773982 (READ-ONLY COPY).

The authoritative reference and input builder live on the scoring server;
editing this copy changes nothing except your own understanding.
"""

import math
import jax, jax.numpy as jnp
import numpy as np

EMBEDDING_DIM = 1024
NUM_EMBEDDINGS = 8192

def _build_weight(embedding_dim=EMBEDDING_DIM, num_embeddings=NUM_EMBEDDINGS):
    half_dim = embedding_dim // 2
    scale = math.log(10000) / (half_dim - 1)
    freqs = jnp.exp(jnp.arange(half_dim, dtype=jnp.float32) * -scale)
    emb = jnp.arange(num_embeddings, dtype=jnp.float32)[:, None] * freqs[None, :]
    emb = jnp.concatenate([jnp.sin(emb), jnp.cos(emb)], axis=1).reshape(num_embeddings, -1)
    if embedding_dim % 2 == 1:
        emb = jnp.concatenate([emb, jnp.zeros((num_embeddings, 1), dtype=jnp.float32)], axis=1)
    emb = emb.at[0, :].set(0.0)
    return emb

def setup_inputs(seed: int = 0) -> dict:
    key = jax.random.key(seed)
    positions = jax.random.randint(key, (4, 8192), 0, NUM_EMBEDDINGS, dtype=jnp.int32)
    weight = _build_weight()
    return {"positions": positions, "weight": weight}

def reference(positions, weight):
    flat = positions.reshape(-1)
    out = jnp.take(weight, flat, axis=0)
    return out.reshape(positions.shape + (weight.shape[1],))

if __name__ == "__main__":
    import jax
    _d = setup_inputs()
    print(jax.jit(kernel)(*tuple(_d.values())))

</pallas_src>

<mosaic_0001>
#map = affine_map<(d0, d1) -> (0, 0, 0)>
#map1 = affine_map<(d0, d1) -> (0, 0)>
module attributes {stable_mosaic.version = 14 : i64} {
  func.func @gather_kernel(%arg0: i32, %arg1: i32, %arg2: memref<32x64x16xi32, #tpu.memory_space<hbm>>, %arg3: memref<8192x1024xf32, #tpu.memory_space<hbm>>, %arg4: memref<32768x1024xf32, #tpu.memory_space<hbm>>, %arg5: memref<64x16xi32, #tpu.memory_space<vmem>>, %arg6: memref<16x1024xf32, #tpu.memory_space<vmem>>, %arg7: memref<16x1024xf32, #tpu.memory_space<vmem>>, %arg8: memref<16x1024xf32, #tpu.memory_space<vmem>>, %arg9: memref<16x1024xf32, #tpu.memory_space<vmem>>, %arg10: memref<16x1024xf32, #tpu.memory_space<vmem>>, %arg11: memref<16x1024xf32, #tpu.memory_space<vmem>>, %arg12: memref<!tpu.dma_semaphore, #tpu.memory_space<semaphore_mem>>, %arg13: memref<!tpu.dma_semaphore, #tpu.memory_space<semaphore_mem>>, %arg14: memref<!tpu.dma_semaphore, #tpu.memory_space<semaphore_mem>>, %arg15: memref<!tpu.dma_semaphore, #tpu.memory_space<semaphore_mem>>, %arg16: memref<!tpu.dma_semaphore, #tpu.memory_space<semaphore_mem>>, %arg17: memref<!tpu.dma_semaphore, #tpu.memory_space<semaphore_mem>>, %arg18: memref<!tpu.dma_semaphore, #tpu.memory_space<semaphore_mem>>, %arg19: memref<!tpu.dma_semaphore, #tpu.memory_space<semaphore_mem>>, %arg20: memref<!tpu.dma_semaphore, #tpu.memory_space<semaphore_mem>>, %arg21: memref<!tpu.dma_semaphore, #tpu.memory_space<semaphore_mem>>, %arg22: memref<!tpu.dma_semaphore, #tpu.memory_space<semaphore_mem>>, %arg23: memref<!tpu.dma_semaphore, #tpu.memory_space<semaphore_mem>>) attributes {dimension_semantics = [#tpu.dimension_semantics<core_parallel>, #tpu.dimension_semantics<subcore_parallel>], iteration_bounds = array<i64: 2, 16>, scalar_prefetch = 0 : i64, scratch_operands = 19 : i64, tpu.core_type = #tpu.core_type<sc_vector_subcore>, window_params = [{transform_indices = #map}, {transform_indices = #map1}, {transform_indices = #map1}]} {
    %mul3A = arith.constant 2 : i32
    %mul3A_0 = arith.muli %arg1, %mul3A : i32
    %add3A = arith.addi %mul3A_0, %arg0 : i32
    %mul3A_1 = arith.constant 1024 : i32
    %mul3A_2 = arith.muli %add3A, %mul3A_1 : i32
    "tpu.region"() ({
      %run_scoped3A = tpu.sem_alloc : memref<!tpu.dma_semaphore, #tpu.memory_space<semaphore_mem>>
      %dma_start3A_124 = arith.constant 0 : i32
      %dma_start3A_125 = arith.constant 0 : i32
      %dma_start3A_126 = tpu.memref_slice %arg2[%add3A, %dma_start3A_124, %dma_start3A_125] : memref<32x64x16xi32, #tpu.memory_space<hbm>> -> memref<1x64x16xi32, #tpu.memory_space<hbm>>
      %dma_start3A_127 = tpu.memref_squeeze %dma_start3A_126 : memref<1x64x16xi32, #tpu.memory_space<hbm>> -> memref<64x16xi32, #tpu.memory_space<hbm>>
      %dma_start3A_128 = arith.constant 0 : i32
      %dma_start3A_129 = arith.constant 0 : i32
      %dma_start3A_130 = tpu.memref_slice %arg2[%add3A, %dma_start3A_128, %dma_start3A_129] : memref<32x64x16xi32, #tpu.memory_space<hbm>> -> memref<1x64x16xi32, #tpu.memory_space<hbm>>
      %dma_start3A_131 = tpu.memref_squeeze %dma_start3A_130 : memref<1x64x16xi32, #tpu.memory_space<hbm>> -> memref<64x16xi32, #tpu.memory_space<hbm>>
      tpu.enqueue_dma source(%dma_start3A_131 : memref<64x16xi32, #tpu.memory_space<hbm>>) target(%arg5 : memref<64x16xi32, #tpu.memory_space<vmem>>) target_semaphore(%run_scoped3A : memref<!tpu.dma_semaphore, #tpu.memory_space<semaphore_mem>>)
      %dma_wait3A_132 = arith.constant 0 : i32
      %dma_wait3A_133 = arith.constant 0 : i32
      %dma_wait3A_134 = tpu.memref_slice %arg2[%add3A, %dma_wait3A_132, %dma_wait3A_133] : memref<32x64x16xi32, #tpu.memory_space<hbm>> -> memref<1x64x16xi32, #tpu.memory_space<hbm>>
      %dma_wait3A_135 = tpu.memref_squeeze %dma_wait3A_134 : memref<1x64x16xi32, #tpu.memory_space<hbm>> -> memref<64x16xi32, #tpu.memory_space<hbm>>
      %dma_wait3A_136 = arith.constant 0 : i32
      %dma_wait3A_137 = arith.constant 0 : i32
      %dma_wait3A_138 = tpu.memref_slice %arg2[%add3A, %dma_wait3A_136, %dma_wait3A_137] : memref<32x64x16xi32, #tpu.memory_space<hbm>> -> memref<1x64x16xi32, #tpu.memory_space<hbm>>
      %dma_wait3A_139 = tpu.memref_squeeze %dma_wait3A_138 : memref<1x64x16xi32, #tpu.memory_space<hbm>> -> memref<64x16xi32, #tpu.memory_space<hbm>>
      tpu.wait_dma2 semaphore(%run_scoped3A : memref<!tpu.dma_semaphore, #tpu.memory_space<semaphore_mem>>) src(%dma_wait3A_139 : memref<64x16xi32, #tpu.memory_space<hbm>>) dst(%arg5 : memref<64x16xi32, #tpu.memory_space<vmem>>)
      tpu.yield
    }) : () -> ()
    %dma_start3A = arith.constant 0 : i32
    %dma_start3A_3 = arith.constant 0 : i32
    %dma_start3A_4 = tpu.memref_slice %arg5[%dma_start3A, %dma_start3A_3] : memref<64x16xi32, #tpu.memory_space<vmem>> -> memref<1x16xi32, #tpu.memory_space<vmem>>
    %dma_start3A_5 = tpu.memref_squeeze %dma_start3A_4 : memref<1x16xi32, #tpu.memory_space<vmem>> -> memref<16xi32, #tpu.memory_space<vmem>>
    %dma_start3A_6 = arith.constant 0 : i32
    %dma_start3A_7 = arith.constant 0 : i32
    %dma_start3A_8 = tpu.memref_slice %arg3[%dma_start3A_6, %dma_start3A_7] : memref<8192x1024xf32, #tpu.memory_space<hbm>> -> memref<8192x1024xf32, #tpu.memory_space<hbm>>
    tpu.enqueue_indirect_dma source(%dma_start3A_8 : memref<8192x1024xf32, #tpu.memory_space<hbm>>) target(%arg6 : memref<16x1024xf32, #tpu.memory_space<vmem>>) offsets(%dma_start3A_5 : memref<16xi32, #tpu.memory_space<vmem>>) semaphore(%arg12 : memref<!tpu.dma_semaphore, #tpu.memory_space<semaphore_mem>>)
    %dma_start3A_9 = arith.constant 1 : i32
    %dma_start3A_10 = arith.constant 0 : i32
    %dma_start3A_11 = tpu.memref_slice %arg5[%dma_start3A_9, %dma_start3A_10] : memref<64x16xi32, #tpu.memory_space<vmem>> -> memref<1x16xi32, #tpu.memory_space<vmem>>
    %dma_start3A_12 = tpu.memref_squeeze %dma_start3A_11 : memref<1x16xi32, #tpu.memory_space<vmem>> -> memref<16xi32, #tpu.memory_space<vmem>>
    %dma_start3A_13 = arith.constant 0 : i32
    %dma_start3A_14 = arith.constant 0 : i32
    %dma_start3A_15 = tpu.memref_slice %arg3[%dma_start3A_13, %dma_start3A_14] : memref<8192x1024xf32, #tpu.memory_space<hbm>> -> memref<8192x1024xf32, #tpu.memory_space<hbm>>
    tpu.enqueue_indirect_dma source(%dma_start3A_15 : memref<8192x1024xf32, #tpu.memory_space<hbm>>) target(%arg7 : memref<16x1024xf32, #tpu.memory_space<vmem>>) offsets(%dma_start3A_12 : memref<16xi32, #tpu.memory_space<vmem>>) semaphore(%arg13 : memref<!tpu.dma_semaphore, #tpu.memory_space<semaphore_mem>>)
    %dma_start3A_16 = arith.constant 2 : i32
    %dma_start3A_17 = arith.constant 0 : i32
    %dma_start3A_18 = tpu.memref_slice %arg5[%dma_start3A_16, %dma_start3A_17] : memref<64x16xi32, #tpu.memory_space<vmem>> -> memref<1x16xi32, #tpu.memory_space<vmem>>
    %dma_start3A_19 = tpu.memref_squeeze %dma_start3A_18 : memref<1x16xi32, #tpu.memory_space<vmem>> -> memref<16xi32, #tpu.memory_space<vmem>>
    %dma_start3A_20 = arith.constant 0 : i32
    %dma_start3A_21 = arith.constant 0 : i32
    %dma_start3A_22 = tpu.memref_slice %arg3[%dma_start3A_20, %dma_start3A_21] : memref<8192x1024xf32, #tpu.memory_space<hbm>> -> memref<8192x1024xf32, #tpu.memory_space<hbm>>
    tpu.enqueue_indirect_dma source(%dma_start3A_22 : memref<8192x1024xf32, #tpu.memory_space<hbm>>) target(%arg8 : memref<16x1024xf32, #tpu.memory_space<vmem>>) offsets(%dma_start3A_19 : memref<16xi32, #tpu.memory_space<vmem>>) semaphore(%arg14 : memref<!tpu.dma_semaphore, #tpu.memory_space<semaphore_mem>>)
    %dma_start3A_23 = arith.constant 3 : i32
    %dma_start3A_24 = arith.constant 0 : i32
    %dma_start3A_25 = tpu.memref_slice %arg5[%dma_start3A_23, %dma_start3A_24] : memref<64x16xi32, #tpu.memory_space<vmem>> -> memref<1x16xi32, #tpu.memory_space<vmem>>
    %dma_start3A_26 = tpu.memref_squeeze %dma_start3A_25 : memref<1x16xi32, #tpu.memory_space<vmem>> -> memref<16xi32, #tpu.memory_space<vmem>>
    %dma_start3A_27 = arith.constant 0 : i32
    %dma_start3A_28 = arith.constant 0 : i32
    %dma_start3A_29 = tpu.memref_slice %arg3[%dma_start3A_27, %dma_start3A_28] : memref<8192x1024xf32, #tpu.memory_space<hbm>> -> memref<8192x1024xf32, #tpu.memory_space<hbm>>
    tpu.enqueue_indirect_dma source(%dma_start3A_29 : memref<8192x1024xf32, #tpu.memory_space<hbm>>) target(%arg9 : memref<16x1024xf32, #tpu.memory_space<vmem>>) offsets(%dma_start3A_26 : memref<16xi32, #tpu.memory_space<vmem>>) semaphore(%arg15 : memref<!tpu.dma_semaphore, #tpu.memory_space<semaphore_mem>>)
    %dma_start3A_30 = arith.constant 4 : i32
    %dma_start3A_31 = arith.constant 0 : i32
    %dma_start3A_32 = tpu.memref_slice %arg5[%dma_start3A_30, %dma_start3A_31] : memref<64x16xi32, #tpu.memory_space<vmem>> -> memref<1x16xi32, #tpu.memory_space<vmem>>
    %dma_start3A_33 = tpu.memref_squeeze %dma_start3A_32 : memref<1x16xi32, #tpu.memory_space<vmem>> -> memref<16xi32, #tpu.memory_space<vmem>>
    %dma_start3A_34 = arith.constant 0 : i32
    %dma_start3A_35 = arith.constant 0 : i32
    %dma_start3A_36 = tpu.memref_slice %arg3[%dma_start3A_34, %dma_start3A_35] : memref<8192x1024xf32, #tpu.memory_space<hbm>> -> memref<8192x1024xf32, #tpu.memory_space<hbm>>
    tpu.enqueue_indirect_dma source(%dma_start3A_36 : memref<8192x1024xf32, #tpu.memory_space<hbm>>) target(%arg10 : memref<16x1024xf32, #tpu.memory_space<vmem>>) offsets(%dma_start3A_33 : memref<16xi32, #tpu.memory_space<vmem>>) semaphore(%arg16 : memref<!tpu.dma_semaphore, #tpu.memory_space<semaphore_mem>>)
    %dma_start3A_37 = arith.constant 5 : i32
    %dma_start3A_38 = arith.constant 0 : i32
    %dma_start3A_39 = tpu.memref_slice %arg5[%dma_start3A_37, %dma_start3A_38] : memref<64x16xi32, #tpu.memory_space<vmem>> -> memref<1x16xi32, #tpu.memory_space<vmem>>
    %dma_start3A_40 = tpu.memref_squeeze %dma_start3A_39 : memref<1x16xi32, #tpu.memory_space<vmem>> -> memref<16xi32, #tpu.memory_space<vmem>>
    %dma_start3A_41 = arith.constant 0 : i32
    %dma_start3A_42 = arith.constant 0 : i32
    %dma_start3A_43 = tpu.memref_slice %arg3[%dma_start3A_41, %dma_start3A_42] : memref<8192x1024xf32, #tpu.memory_space<hbm>> -> memref<8192x1024xf32, #tpu.memory_space<hbm>>
    tpu.enqueue_indirect_dma source(%dma_start3A_43 : memref<8192x1024xf32, #tpu.memory_space<hbm>>) target(%arg11 : memref<16x1024xf32, #tpu.memory_space<vmem>>) offsets(%dma_start3A_40 : memref<16xi32, #tpu.memory_space<vmem>>) semaphore(%arg17 : memref<!tpu.dma_semaphore, #tpu.memory_space<semaphore_mem>>)
    %scan3A = arith.constant 0 : i32
    %scan3A_44 = arith.constant 0 : i32
    %scan3A_45 = arith.constant 10 : i32
    %scan3A_46 = arith.addi %scan3A_44, %scan3A_45 : i32
    %scan3A_47 = arith.constant 1 : i32
    scf.for %scan3A_124 = %scan3A_44 to %scan3A_46 step %scan3A_47  : i32 {
      %mul3A_125 = arith.constant 6 : i32
      %mul3A_126 = arith.muli %scan3A_124, %mul3A_125 : i32
      %add3A_127 = arith.constant 0 : i32
      %add3A_128 = arith.addi %mul3A_126, %add3A_127 : i32
      %ge3A = arith.constant 1 : i32
      %ge3A_129 = arith.cmpi sge, %add3A_128, %ge3A : i32
      %sub3A = arith.constant 1 : i32
      %sub3A_130 = arith.subi %add3A_128, %sub3A : i32
      %add3A_131 = arith.constant 6 : i32
      %add3A_132 = arith.addi %sub3A_130, %add3A_131 : i32
      %lt3A = arith.constant 64 : i32
      %lt3A_133 = arith.cmpi slt, %add3A_132, %lt3A : i32
      %and3A = arith.andi %ge3A_129, %lt3A_133 : i1
      %convert_element_type3A = arith.extui %and3A : i1 to i32
      %cond3A = arith.constant 0 : i32
      %cond3A_134 = arith.cmpi ne, %convert_element_type3A, %cond3A : i32
      scf.if %cond3A_134 {
        %dma_wait3A_293 = arith.constant 0 : i32
        %dma_wait3A_294 = tpu.memref_slice %arg4[%mul3A_2, %dma_wait3A_293] : memref<32768x1024xf32, #tpu.memory_space<hbm>> -> memref<16x1024xf32, #tpu.memory_space<hbm>>
        %dma_wait3A_295 = arith.constant 0 : i32
        %dma_wait3A_296 = tpu.memref_slice %arg4[%mul3A_2, %dma_wait3A_295] : memref<32768x1024xf32, #tpu.memory_space<hbm>> -> memref<16x1024xf32, #tpu.memory_space<hbm>>
        tpu.wait_dma2 semaphore(%arg23 : memref<!tpu.dma_semaphore, #tpu.memory_space<semaphore_mem>>) src(%arg11 : memref<16x1024xf32, #tpu.memory_space<vmem>>) dst(%dma_wait3A_296 : memref<16x1024xf32, #tpu.memory_space<hbm>>)
        %sub3A_297 = arith.constant 1 : i32
        %sub3A_298 = arith.subi %add3A_128, %sub3A_297 : i32
        %add3A_299 = arith.constant 6 : i32
        %add3A_300 = arith.addi %sub3A_298, %add3A_299 : i32
        %dma_start3A_301 = arith.constant 0 : i32
        %dma_start3A_302 = tpu.memref_slice %arg5[%add3A_300, %dma_start3A_301] : memref<64x16xi32, #tpu.memory_space<vmem>> -> memref<1x16xi32, #tpu.memory_space<vmem>>
        %dma_start3A_303 = tpu.memref_squeeze %dma_start3A_302 : memref<1x16xi32, #tpu.memory_space<vmem>> -> memref<16xi32, #tpu.memory_space<vmem>>
        %dma_start3A_304 = arith.constant 0 : i32
        %dma_start3A_305 = arith.constant 0 : i32
        %dma_start3A_306 = tpu.memref_slice %arg3[%dma_start3A_304, %dma_start3A_305] : memref<8192x1024xf32, #tpu.memory_space<hbm>> -> memref<8192x1024xf32, #tpu.memory_space<hbm>>
        tpu.enqueue_indirect_dma source(%dma_start3A_306 : memref<8192x1024xf32, #tpu.memory_space<hbm>>) target(%arg11 : memref<16x1024xf32, #tpu.memory_space<vmem>>) offsets(%dma_start3A_303 : memref<16xi32, #tpu.memory_space<vmem>>) semaphore(%arg17 : memref<!tpu.dma_semaphore, #tpu.memory_space<semaphore_mem>>)
      } else {
      }
      %dma_wait3A_135 = arith.constant 0 : i32
      %dma_wait3A_136 = tpu.memref_slice %arg5[%add3A_128, %dma_wait3A_135] : memref<64x16xi32, #tpu.memory_space<vmem>> -> memref<1x16xi32, #tpu.memory_space<vmem>>
      %dma_wait3A_137 = tpu.memref_squeeze %dma_wait3A_136 : memref<1x16xi32, #tpu.memory_space<vmem>> -> memref<16xi32, #tpu.memory_space<vmem>>
      %dma_wait3A_138 = arith.constant 0 : i32
      %dma_wait3A_139 = arith.constant 0 : i32
      %dma_wait3A_140 = tpu.memref_slice %arg3[%dma_wait3A_138, %dma_wait3A_139] : memref<8192x1024xf32, #tpu.memory_space<hbm>> -> memref<8192x1024xf32, #tpu.memory_space<hbm>>
      tpu.wait_indirect_dma semaphore(%arg12 : memref<!tpu.dma_semaphore, #tpu.memory_space<semaphore_mem>>) src(%dma_wait3A_140 : memref<8192x1024xf32, #tpu.memory_space<hbm>>) dst(%arg6 : memref<16x1024xf32, #tpu.memory_space<vmem>>)
      %mul3A_141 = arith.constant 16 : i32
      %mul3A_142 = arith.muli %add3A_128, %mul3A_141 : i32
      %add3A_143 = arith.addi %mul3A_2, %mul3A_142 : i32
      %dma_start3A_144 = arith.constant 0 : i32
      %dma_start3A_145 = tpu.memref_slice %arg4[%add3A_143, %dma_start3A_144] : memref<32768x1024xf32, #tpu.memory_space<hbm>> -> memref<16x1024xf32, #tpu.memory_space<hbm>>
      %dma_start3A_146 = arith.constant 0 : i32
      %dma_start3A_147 = tpu.memref_slice %arg4[%add3A_143, %dma_start3A_146] : memref<32768x1024xf32, #tpu.memory_space<hbm>> -> memref<16x1024xf32, #tpu.memory_space<hbm>>
      tpu.enqueue_dma source(%arg6 : memref<16x1024xf32, #tpu.memory_space<vmem>>) target(%dma_start3A_147 : memref<16x1024xf32, #tpu.memory_space<hbm>>) target_semaphore(%arg18 : memref<!tpu.dma_semaphore, #tpu.memory_space<semaphore_mem>>)
      %mul3A_148 = arith.constant 6 : i32
      %mul3A_149 = arith.muli %scan3A_124, %mul3A_148 : i32
      %add3A_150 = arith.constant 1 : i32
      %add3A_151 = arith.addi %mul3A_149, %add3A_150 : i32
      %ge3A_152 = arith.constant 1 : i32
      %ge3A_153 = arith.cmpi sge, %add3A_151, %ge3A_152 : i32
      %sub3A_154 = arith.constant 1 : i32
      %sub3A_155 = arith.subi %add3A_151, %sub3A_154 : i32
      %add3A_156 = arith.constant 6 : i32
      %add3A_157 = arith.addi %sub3A_155, %add3A_156 : i32
      %lt3A_158 = arith.constant 64 : i32
      %lt3A_159 = arith.cmpi slt, %add3A_157, %lt3A_158 : i32
      %and3A_160 = arith.andi %ge3A_153, %lt3A_159 : i1
      %convert_element_type3A_161 = arith.extui %and3A_160 : i1 to i32
      %cond3A_162 = arith.constant 0 : i32
      %cond3A_163 = arith.cmpi ne, %convert_element_type3A_161, %cond3A_162 : i32
      scf.if %cond3A_163 {
        %dma_wait3A_293 = arith.constant 0 : i32
        %dma_wait3A_294 = tpu.memref_slice %arg4[%mul3A_2, %dma_wait3A_293] : memref<32768x1024xf32, #tpu.memory_space<hbm>> -> memref<16x1024xf32, #tpu.memory_space<hbm>>
        %dma_wait3A_295 = arith.constant 0 : i32
        %dma_wait3A_296 = tpu.memref_slice %arg4[%mul3A_2, %dma_wait3A_295] : memref<32768x1024xf32, #tpu.memory_space<hbm>> -> memref<16x1024xf32, #tpu.memory_space<hbm>>
        tpu.wait_dma2 semaphore(%arg18 : memref<!tpu.dma_semaphore, #tpu.memory_space<semaphore_mem>>) src(%arg6 : memref<16x1024xf32, #tpu.memory_space<vmem>>) dst(%dma_wait3A_296 : memref<16x1024xf32, #tpu.memory_space<hbm>>)
        %sub3A_297 = arith.constant 1 : i32
        %sub3A_298 = arith.subi %add3A_151, %sub3A_297 : i32
        %add3A_299 = arith.constant 6 : i32
        %add3A_300 = arith.addi %sub3A_298, %add3A_299 : i32
        %dma_start3A_301 = arith.constant 0 : i32
        %dma_start3A_302 = tpu.memref_slice %arg5[%add3A_300, %dma_start3A_301] : memref<64x16xi32, #tpu.memory_space<vmem>> -> memref<1x16xi32, #tpu.memory_space<vmem>>
        %dma_start3A_303 = tpu.memref_squeeze %dma_start3A_302 : memref<1x16xi32, #tpu.memory_space<vmem>> -> memref<16xi32, #tpu.memory_space<vmem>>
        %dma_start3A_304 = arith.constant 0 : i32
        %dma_start3A_305 = arith.constant 0 : i32
        %dma_start3A_306 = tpu.memref_slice %arg3[%dma_start3A_304, %dma_start3A_305] : memref<8192x1024xf32, #tpu.memory_space<hbm>> -> memref<8192x1024xf32, #tpu.memory_space<hbm>>
        tpu.enqueue_indirect_dma source(%dma_start3A_306 : memref<8192x1024xf32, #tpu.memory_space<hbm>>) target(%arg6 : memref<16x1024xf32, #tpu.memory_space<vmem>>) offsets(%dma_start3A_303 : memref<16xi32, #tpu.memory_space<vmem>>) semaphore(%arg12 : memref<!tpu.dma_semaphore, #tpu.memory_space<semaphore_mem>>)
      } else {
      }
      %dma_wait3A_164 = arith.constant 0 : i32
      %dma_wait3A_165 = tpu.memref_slice %arg5[%add3A_151, %dma_wait3A_164] : memref<64x16xi32, #tpu.memory_space<vmem>> -> memref<1x16xi32, #tpu.memory_space<vmem>>
      %dma_wait3A_166 = tpu.memref_squeeze %dma_wait3A_165 : memref<1x16xi32, #tpu.memory_space<vmem>> -> memref<16xi32, #tpu.memory_space<vmem>>
      %dma_wait3A_167 = arith.constant 0 : i32
      %dma_wait3A_168 = arith.constant 0 : i32
      %dma_wait3A_169 = tpu.memref_slice %arg3[%dma_wait3A_167, %dma_wait3A_168] : memref<8192x1024xf32, #tpu.memory_space<hbm>> -> memref<8192x1024xf32, #tpu.memory_space<hbm>>
      tpu.wait_indirect_dma semaphore(%arg13 : memref<!tpu.dma_semaphore, #tpu.memory_space<semaphore_mem>>) src(%dma_wait3A_169 : memref<8192x1024xf32, #tpu.memory_space<hbm>>) dst(%arg7 : memref<16x1024xf32, #tpu.memory_space<vmem>>)
      %mul3A_170 = arith.constant 16 : i32
      %mul3A_171 = arith.muli %add3A_151, %mul3A_170 : i32
      %add3A_172 = arith.addi %mul3A_2, %mul3A_171 : i32
      %dma_start3A_173 = arith.constant 0 : i32
      %dma_start3A_174 = tpu.memref_slice %arg4[%add3A_172, %dma_start3A_173] : memref<32768x1024xf32, #tpu.memory_space<hbm>> -> memref<16x1024xf32, #tpu.memory_space<hbm>>
      %dma_start3A_175 = arith.constant 0 : i32
      %dma_start3A_176 = tpu.memref_slice %arg4[%add3A_172, %dma_start3A_175] : memref<32768x1024xf32, #tpu.memory_space<hbm>> -> memref<16x1024xf32, #tpu.memory_space<hbm>>
      tpu.enqueue_dma source(%arg7 : memref<16x1024xf32, #tpu.memory_space<vmem>>) target(%dma_start3A_176 : memref<16x1024xf32, #tpu.memory_space<hbm>>) target_semaphore(%arg19 : memref<!tpu.dma_semaphore, #tpu.memory_space<semaphore_mem>>)
      %mul3A_177 = arith.constant 6 : i32
      %mul3A_178 = arith.muli %scan3A_124, %mul3A_177 : i32
      %add3A_179 = arith.constant 2 : i32
      %add3A_180 = arith.addi %mul3A_178, %add3A_179 : i32
      %ge3A_181 = arith.constant 1 : i32
      %ge3A_182 = arith.cmpi sge, %add3A_180, %ge3A_181 : i32
      %sub3A_183 = arith.constant 1 : i32
      %sub3A_184 = arith.subi %add3A_180, %sub3A_183 : i32
      %add3A_185 = arith.constant 6 : i32
      %add3A_186 = arith.addi %sub3A_184, %add3A_185 : i32
      %lt3A_187 = arith.constant 64 : i32
      %lt3A_188 = arith.cmpi slt, %add3A_186, %lt3A_187 : i32
      %and3A_189 = arith.andi %ge3A_182, %lt3A_188 : i1
      %convert_element_type3A_190 = arith.extui %and3A_189 : i1 to i32
      %cond3A_191 = arith.constant 0 : i32
      %cond3A_192 = arith.cmpi ne, %convert_element_type3A_190, %cond3A_191 : i32
      scf.if %cond3A_192 {
        %dma_wait3A_293 = arith.constant 0 : i32
        %dma_wait3A_294 = tpu.memref_slice %arg4[%mul3A_2, %dma_wait3A_293] : memref<32768x1024xf32, #tpu.memory_space<hbm>> -> memref<16x1024xf32, #tpu.memory_space<hbm>>
        %dma_wait3A_295 = arith.constant 0 : i32
        %dma_wait3A_296 = tpu.memref_slice %arg4[%mul3A_2, %dma_wait3A_295] : memref<32768x1024xf32, #tpu.memory_space<hbm>> -> memref<16x1024xf32, #tpu.memory_space<hbm>>
        tpu.wait_dma2 semaphore(%arg19 : memref<!tpu.dma_semaphore, #tpu.memory_space<semaphore_mem>>) src(%arg7 : memref<16x1024xf32, #tpu.memory_space<vmem>>) dst(%dma_wait3A_296 : memref<16x1024xf32, #tpu.memory_space<hbm>>)
        %sub3A_297 = arith.constant 1 : i32
        %sub3A_298 = arith.subi %add3A_180, %sub3A_297 : i32
        %add3A_299 = arith.constant 6 : i32
        %add3A_300 = arith.addi %sub3A_298, %add3A_299 : i32
        %dma_start3A_301 = arith.constant 0 : i32
        %dma_start3A_302 = tpu.memref_slice %arg5[%add3A_300, %dma_start3A_301] : memref<64x16xi32, #tpu.memory_space<vmem>> -> memref<1x16xi32, #tpu.memory_space<vmem>>
        %dma_start3A_303 = tpu.memref_squeeze %dma_start3A_302 : memref<1x16xi32, #tpu.memory_space<vmem>> -> memref<16xi32, #tpu.memory_space<vmem>>
        %dma_start3A_304 = arith.constant 0 : i32
        %dma_start3A_305 = arith.constant 0 : i32
        %dma_start3A_306 = tpu.memref_slice %arg3[%dma_start3A_304, %dma_start3A_305] : memref<8192x1024xf32, #tpu.memory_space<hbm>> -> memref<8192x1024xf32, #tpu.memory_space<hbm>>
        tpu.enqueue_indirect_dma source(%dma_start3A_306 : memref<8192x1024xf32, #tpu.memory_space<hbm>>) target(%arg7 : memref<16x1024xf32, #tpu.memory_space<vmem>>) offsets(%dma_start3A_303 : memref<16xi32, #tpu.memory_space<vmem>>) semaphore(%arg13 : memref<!tpu.dma_semaphore, #tpu.memory_space<semaphore_mem>>)
      } else {
      }
      %dma_wait3A_193 = arith.constant 0 : i32
      %dma_wait3A_194 = tpu.memref_slice %arg5[%add3A_180, %dma_wait3A_193] : memref<64x16xi32, #tpu.memory_space<vmem>> -> memref<1x16xi32, #tpu.memory_space<vmem>>
      %dma_wait3A_195 = tpu.memref_squeeze %dma_wait3A_194 : memref<1x16xi32, #tpu.memory_space<vmem>> -> memref<16xi32, #tpu.memory_space<vmem>>
      %dma_wait3A_196 = arith.constant 0 : i32
      %dma_wait3A_197 = arith.constant 0 : i32
      %dma_wait3A_198 = tpu.memref_slice %arg3[%dma_wait3A_196, %dma_wait3A_197] : memref<8192x1024xf32, #tpu.memory_space<hbm>> -> memref<8192x1024xf32, #tpu.memory_space<hbm>>
      tpu.wait_indirect_dma semaphore(%arg14 : memref<!tpu.dma_semaphore, #tpu.memory_space<semaphore_mem>>) src(%dma_wait3A_198 : memref<8192x1024xf32, #tpu.memory_space<hbm>>) dst(%arg8 : memref<16x1024xf32, #tpu.memory_space<vmem>>)
      %mul3A_199 = arith.constant 16 : i32
      %mul3A_200 = arith.muli %add3A_180, %mul3A_199 : i32
      %add3A_201 = arith.addi %mul3A_2, %mul3A_200 : i32
      %dma_start3A_202 = arith.constant 0 : i32
      %dma_start3A_203 = tpu.memref_slice %arg4[%add3A_201, %dma_start3A_202] : memref<32768x1024xf32, #tpu.memory_space<hbm>> -> memref<16x1024xf32, #tpu.memory_space<hbm>>
      %dma_start3A_204 = arith.constant 0 : i32
      %dma_start3A_205 = tpu.memref_slice %arg4[%add3A_201, %dma_start3A_204] : memref<32768x1024xf32, #tpu.memory_space<hbm>> -> memref<16x1024xf32, #tpu.memory_space<hbm>>
      tpu.enqueue_dma source(%arg8 : memref<16x1024xf32, #tpu.memory_space<vmem>>) target(%dma_start3A_205 : memref<16x1024xf32, #tpu.memory_space<hbm>>) target_semaphore(%arg20 : memref<!tpu.dma_semaphore, #tpu.memory_space<semaphore_mem>>)
      %mul3A_206 = arith.constant 6 : i32
      %mul3A_207 = arith.muli %scan3A_124, %mul3A_206 : i32
      %add3A_208 = arith.constant 3 : i32
      %add3A_209 = arith.addi %mul3A_207, %add3A_208 : i32
      %ge3A_210 = arith.constant 1 : i32
      %ge3A_211 = arith.cmpi sge, %add3A_209, %ge3A_210 : i32
      %sub3A_212 = arith.constant 1 : i32
      %sub3A_213 = arith.subi %add3A_209, %sub3A_212 : i32
      %add3A_214 = arith.constant 6 : i32
      %add3A_215 = arith.addi %sub3A_213, %add3A_214 : i32
      %lt3A_216 = arith.constant 64 : i32
      %lt3A_217 = arith.cmpi slt, %add3A_215, %lt3A_216 : i32
      %and3A_218 = arith.andi %ge3A_211, %lt3A_217 : i1
      %convert_element_type3A_219 = arith.extui %and3A_218 : i1 to i32
      %cond3A_220 = arith.constant 0 : i32
      %cond3A_221 = arith.cmpi ne, %convert_element_type3A_219, %cond3A_220 : i32
      scf.if %cond3A_221 {
        %dma_wait3A_293 = arith.constant 0 : i32
        %dma_wait3A_294 = tpu.memref_slice %arg4[%mul3A_2, %dma_wait3A_293] : memref<32768x1024xf32, #tpu.memory_space<hbm>> -> memref<16x1024xf32, #tpu.memory_space<hbm>>
        %dma_wait3A_295 = arith.constant 0 : i32
        %dma_wait3A_296 = tpu.memref_slice %arg4[%mul3A_2, %dma_wait3A_295] : memref<32768x1024xf32, #tpu.memory_space<hbm>> -> memref<16x1024xf32, #tpu.memory_space<hbm>>
        tpu.wait_dma2 semaphore(%arg20 : memref<!tpu.dma_semaphore, #tpu.memory_space<semaphore_mem>>) src(%arg8 : memref<16x1024xf32, #tpu.memory_space<vmem>>) dst(%dma_wait3A_296 : memref<16x1024xf32, #tpu.memory_space<hbm>>)
        %sub3A_297 = arith.constant 1 : i32
        %sub3A_298 = arith.subi %add3A_209, %sub3A_297 : i32
        %add3A_299 = arith.constant 6 : i32
        %add3A_300 = arith.addi %sub3A_298, %add3A_299 : i32
        %dma_start3A_301 = arith.constant 0 : i32
        %dma_start3A_302 = tpu.memref_slice %arg5[%add3A_300, %dma_start3A_301] : memref<64x16xi32, #tpu.memory_space<vmem>> -> memref<1x16xi32, #tpu.memory_space<vmem>>
        %dma_start3A_303 = tpu.memref_squeeze %dma_start3A_302 : memref<1x16xi32, #tpu.memory_space<vmem>> -> memref<16xi32, #tpu.memory_space<vmem>>
        %dma_start3A_304 = arith.constant 0 : i32
        %dma_start3A_305 = arith.constant 0 : i32
        %dma_start3A_306 = tpu.memref_slice %arg3[%dma_start3A_304, %dma_start3A_305] : memref<8192x1024xf32, #tpu.memory_space<hbm>> -> memref<8192x1024xf32, #tpu.memory_space<hbm>>
        tpu.enqueue_indirect_dma source(%dma_start3A_306 : memref<8192x1024xf32, #tpu.memory_space<hbm>>) target(%arg8 : memref<16x1024xf32, #tpu.memory_space<vmem>>) offsets(%dma_start3A_303 : memref<16xi32, #tpu.memory_space<vmem>>) semaphore(%arg14 : memref<!tpu.dma_semaphore, #tpu.memory_space<semaphore_mem>>)
      } else {
      }
      %dma_wait3A_222 = arith.constant 0 : i32
      %dma_wait3A_223 = tpu.memref_slice %arg5[%add3A_209, %dma_wait3A_222] : memref<64x16xi32, #tpu.memory_space<vmem>> -> memref<1x16xi32, #tpu.memory_space<vmem>>
      %dma_wait3A_224 = tpu.memref_squeeze %dma_wait3A_223 : memref<1x16xi32, #tpu.memory_space<vmem>> -> memref<16xi32, #tpu.memory_space<vmem>>
      %dma_wait3A_225 = arith.constant 0 : i32
      %dma_wait3A_226 = arith.constant 0 : i32
      %dma_wait3A_227 = tpu.memref_slice %arg3[%dma_wait3A_225, %dma_wait3A_226] : memref<8192x1024xf32, #tpu.memory_space<hbm>> -> memref<8192x1024xf32, #tpu.memory_space<hbm>>
      tpu.wait_indirect_dma semaphore(%arg15 : memref<!tpu.dma_semaphore, #tpu.memory_space<semaphore_mem>>) src(%dma_wait3A_227 : memref<8192x1024xf32, #tpu.memory_space<hbm>>) dst(%arg9 : memref<16x1024xf32, #tpu.memory_space<vmem>>)
      %mul3A_228 = arith.constant 16 : i32
      %mul3A_229 = arith.muli %add3A_209, %mul3A_228 : i32
      %add3A_230 = arith.addi %mul3A_2, %mul3A_229 : i32
      %dma_start3A_231 = arith.constant 0 : i32
      %dma_start3A_232 = tpu.memref_slice %arg4[%add3A_230, %dma_start3A_231] : memref<32768x1024xf32, #tpu.memory_space<hbm>> -> memref<16x1024xf32, #tpu.memory_space<hbm>>
      %dma_start3A_233 = arith.constant 0 : i32
      %dma_start3A_234 = tpu.memref_slice %arg4[%add3A_230, %dma_start3A_233] : memref<32768x1024xf32, #tpu.memory_space<hbm>> -> memref<16x1024xf32, #tpu.memory_space<hbm>>
      tpu.enqueue_dma source(%arg9 : memref<16x1024xf32, #tpu.memory_space<vmem>>) target(%dma_start3A_234 : memref<16x1024xf32, #tpu.memory_space<hbm>>) target_semaphore(%arg21 : memref<!tpu.dma_semaphore, #tpu.memory_space<semaphore_mem>>)
      %mul3A_235 = arith.constant 6 : i32
      %mul3A_236 = arith.muli %scan3A_124, %mul3A_235 : i32
      %add3A_237 = arith.constant 4 : i32
      %add3A_238 = arith.addi %mul3A_236, %add3A_237 : i32
      %ge3A_239 = arith.constant 1 : i32
      %ge3A_240 = arith.cmpi sge, %add3A_238, %ge3A_239 : i32
      %sub3A_241 = arith.constant 1 : i32
      %sub3A_242 = arith.subi %add3A_238, %sub3A_241 : i32
      %add3A_243 = arith.constant 6 : i32
      %add3A_244 = arith.addi %sub3A_242, %add3A_243 : i32
      %lt3A_245 = arith.constant 64 : i32
      %lt3A_246 = arith.cmpi slt, %add3A_244, %lt3A_245 : i32
      %and3A_247 = arith.andi %ge3A_240, %lt3A_246 : i1
      %convert_element_type3A_248 = arith.extui %and3A_247 : i1 to i32
      %cond3A_249 = arith.constant 0 : i32
      %cond3A_250 = arith.cmpi ne, %convert_element_type3A_248, %cond3A_249 : i32
      scf.if %cond3A_250 {
        %dma_wait3A_293 = arith.constant 0 : i32
        %dma_wait3A_294 = tpu.memref_slice %arg4[%mul3A_2, %dma_wait3A_293] : memref<32768x1024xf32, #tpu.memory_space<hbm>> -> memref<16x1024xf32, #tpu.memory_space<hbm>>
        %dma_wait3A_295 = arith.constant 0 : i32
        %dma_wait3A_296 = tpu.memref_slice %arg4[%mul3A_2, %dma_wait3A_295] : memref<32768x1024xf32, #tpu.memory_space<hbm>> -> memref<16x1024xf32, #tpu.memory_space<hbm>>
        tpu.wait_dma2 semaphore(%arg21 : memref<!tpu.dma_semaphore, #tpu.memory_space<semaphore_mem>>) src(%arg9 : memref<16x1024xf32, #tpu.memory_space<vmem>>) dst(%dma_wait3A_296 : memref<16x1024xf32, #tpu.memory_space<hbm>>)
        %sub3A_297 = arith.constant 1 : i32
        %sub3A_298 = arith.subi %add3A_238, %sub3A_297 : i32
        %add3A_299 = arith.constant 6 : i32
        %add3A_300 = arith.addi %sub3A_298, %add3A_299 : i32
        %dma_start3A_301 = arith.constant 0 : i32
        %dma_start3A_302 = tpu.memref_slice %arg5[%add3A_300, %dma_start3A_301] : memref<64x16xi32, #tpu.memory_space<vmem>> -> memref<1x16xi32, #tpu.memory_space<vmem>>
        %dma_start3A_303 = tpu.memref_squeeze %dma_start3A_302 : memref<1x16xi32, #tpu.memory_space<vmem>> -> memref<16xi32, #tpu.memory_space<vmem>>
        %dma_start3A_304 = arith.constant 0 : i32
        %dma_start3A_305 = arith.constant 0 : i32
        %dma_start3A_306 = tpu.memref_slice %arg3[%dma_start3A_304, %dma_start3A_305] : memref<8192x1024xf32, #tpu.memory_space<hbm>> -> memref<8192x1024xf32, #tpu.memory_space<hbm>>
        tpu.enqueue_indirect_dma source(%dma_start3A_306 : memref<8192x1024xf32, #tpu.memory_space<hbm>>) target(%arg9 : memref<16x1024xf32, #tpu.memory_space<vmem>>) offsets(%dma_start3A_303 : memref<16xi32, #tpu.memory_space<vmem>>) semaphore(%arg15 : memref<!tpu.dma_semaphore, #tpu.memory_space<semaphore_mem>>)
      } else {
      }
      %dma_wait3A_251 = arith.constant 0 : i32
      %dma_wait3A_252 = tpu.memref_slice %arg5[%add3A_238, %dma_wait3A_251] : memref<64x16xi32, #tpu.memory_space<vmem>> -> memref<1x16xi32, #tpu.memory_space<vmem>>
      %dma_wait3A_253 = tpu.memref_squeeze %dma_wait3A_252 : memref<1x16xi32, #tpu.memory_space<vmem>> -> memref<16xi32, #tpu.memory_space<vmem>>
      %dma_wait3A_254 = arith.constant 0 : i32
      %dma_wait3A_255 = arith.constant 0 : i32
      %dma_wait3A_256 = tpu.memref_slice %arg3[%dma_wait3A_254, %dma_wait3A_255] : memref<8192x1024xf32, #tpu.memory_space<hbm>> -> memref<8192x1024xf32, #tpu.memory_space<hbm>>
      tpu.wait_indirect_dma semaphore(%arg16 : memref<!tpu.dma_semaphore, #tpu.memory_space<semaphore_mem>>) src(%dma_wait3A_256 : memref<8192x1024xf32, #tpu.memory_space<hbm>>) dst(%arg10 : memref<16x1024xf32, #tpu.memory_space<vmem>>)
      %mul3A_257 = arith.constant 16 : i32
      %mul3A_258 = arith.muli %add3A_238, %mul3A_257 : i32
      %add3A_259 = arith.addi %mul3A_2, %mul3A_258 : i32
      %dma_start3A_260 = arith.constant 0 : i32
      %dma_start3A_261 = tpu.memref_slice %arg4[%add3A_259, %dma_start3A_260] : memref<32768x1024xf32, #tpu.memory_space<hbm>> -> memref<16x1024xf32, #tpu.memory_space<hbm>>
      %dma_start3A_262 = arith.constant 0 : i32
      %dma_start3A_263 = tpu.memref_slice %arg4[%add3A_259, %dma_start3A_262] : memref<32768x1024xf32, #tpu.memory_space<hbm>> -> memref<16x1024xf32, #tpu.memory_space<hbm>>
      tpu.enqueue_dma source(%arg10 : memref<16x1024xf32, #tpu.memory_space<vmem>>) target(%dma_start3A_263 : memref<16x1024xf32, #tpu.memory_space<hbm>>) target_semaphore(%arg22 : memref<!tpu.dma_semaphore, #tpu.memory_space<semaphore_mem>>)
      %mul3A_264 = arith.constant 6 : i32
      %mul3A_265 = arith.muli %scan3A_124, %mul3A_264 : i32
      %add3A_266 = arith.constant 5 : i32
      %add3A_267 = arith.addi %mul3A_265, %add3A_266 : i32
      %ge3A_268 = arith.constant 1 : i32
      %ge3A_269 = arith.cmpi sge, %add3A_267, %ge3A_268 : i32
      %sub3A_270 = arith.constant 1 : i32
      %sub3A_271 = arith.subi %add3A_267, %sub3A_270 : i32
      %add3A_272 = arith.constant 6 : i32
      %add3A_273 = arith.addi %sub3A_271, %add3A_272 : i32
      %lt3A_274 = arith.constant 64 : i32
      %lt3A_275 = arith.cmpi slt, %add3A_273, %lt3A_274 : i32
      %and3A_276 = arith.andi %ge3A_269, %lt3A_275 : i1
      %convert_element_type3A_277 = arith.extui %and3A_276 : i1 to i32
      %cond3A_278 = arith.constant 0 : i32
      %cond3A_279 = arith.cmpi ne, %convert_element_type3A_277, %cond3A_278 : i32
      scf.if %cond3A_279 {
        %dma_wait3A_293 = arith.constant 0 : i32
        %dma_wait3A_294 = tpu.memref_slice %arg4[%mul3A_2, %dma_wait3A_293] : memref<32768x1024xf32, #tpu.memory_space<hbm>> -> memref<16x1024xf32, #tpu.memory_space<hbm>>
        %dma_wait3A_295 = arith.constant 0 : i32
        %dma_wait3A_296 = tpu.memref_slice %arg4[%mul3A_2, %dma_wait3A_295] : memref<32768x1024xf32, #tpu.memory_space<hbm>> -> memref<16x1024xf32, #tpu.memory_space<hbm>>
        tpu.wait_dma2 semaphore(%arg22 : memref<!tpu.dma_semaphore, #tpu.memory_space<semaphore_mem>>) src(%arg10 : memref<16x1024xf32, #tpu.memory_space<vmem>>) dst(%dma_wait3A_296 : memref<16x1024xf32, #tpu.memory_space<hbm>>)
        %sub3A_297 = arith.constant 1 : i32
        %sub3A_298 = arith.subi %add3A_267, %sub3A_297 : i32
        %add3A_299 = arith.constant 6 : i32
        %add3A_300 = arith.addi %sub3A_298, %add3A_299 : i32
        %dma_start3A_301 = arith.constant 0 : i32
        %dma_start3A_302 = tpu.memref_slice %arg5[%add3A_300, %dma_start3A_301] : memref<64x16xi32, #tpu.memory_space<vmem>> -> memref<1x16xi32, #tpu.memory_space<vmem>>
        %dma_start3A_303 = tpu.memref_squeeze %dma_start3A_302 : memref<1x16xi32, #tpu.memory_space<vmem>> -> memref<16xi32, #tpu.memory_space<vmem>>
        %dma_start3A_304 = arith.constant 0 : i32
        %dma_start3A_305 = arith.constant 0 : i32
        %dma_start3A_306 = tpu.memref_slice %arg3[%dma_start3A_304, %dma_start3A_305] : memref<8192x1024xf32, #tpu.memory_space<hbm>> -> memref<8192x1024xf32, #tpu.memory_space<hbm>>
        tpu.enqueue_indirect_dma source(%dma_start3A_306 : memref<8192x1024xf32, #tpu.memory_space<hbm>>) target(%arg10 : memref<16x1024xf32, #tpu.memory_space<vmem>>) offsets(%dma_start3A_303 : memref<16xi32, #tpu.memory_space<vmem>>) semaphore(%arg16 : memref<!tpu.dma_semaphore, #tpu.memory_space<semaphore_mem>>)
      } else {
      }
      %dma_wait3A_280 = arith.constant 0 : i32
      %dma_wait3A_281 = tpu.memref_slice %arg5[%add3A_267, %dma_wait3A_280] : memref<64x16xi32, #tpu.memory_space<vmem>> -> memref<1x16xi32, #tpu.memory_space<vmem>>
      %dma_wait3A_282 = tpu.memref_squeeze %dma_wait3A_281 : memref<1x16xi32, #tpu.memory_space<vmem>> -> memref<16xi32, #tpu.memory_space<vmem>>
      %dma_wait3A_283 = arith.constant 0 : i32
      %dma_wait3A_284 = arith.constant 0 : i32
      %dma_wait3A_285 = tpu.memref_slice %arg3[%dma_wait3A_283, %dma_wait3A_284] : memref<8192x1024xf32, #tpu.memory_space<hbm>> -> memref<8192x1024xf32, #tpu.memory_space<hbm>>
      tpu.wait_indirect_dma semaphore(%arg17 : memref<!tpu.dma_semaphore, #tpu.memory_space<semaphore_mem>>) src(%dma_wait3A_285 : memref<8192x1024xf32, #tpu.memory_space<hbm>>) dst(%arg11 : memref<16x1024xf32, #tpu.memory_space<vmem>>)
      %mul3A_286 = arith.constant 16 : i32
      %mul3A_287 = arith.muli %add3A_267, %mul3A_286 : i32
      %add3A_288 = arith.addi %mul3A_2, %mul3A_287 : i32
      %dma_start3A_289 = arith.constant 0 : i32
      %dma_start3A_290 = tpu.memref_slice %arg4[%add3A_288, %dma_start3A_289] : memref<32768x1024xf32, #tpu.memory_space<hbm>> -> memref<16x1024xf32, #tpu.memory_space<hbm>>
      %dma_start3A_291 = arith.constant 0 : i32
      %dma_start3A_292 = tpu.memref_slice %arg4[%add3A_288, %dma_start3A_291] : memref<32768x1024xf32, #tpu.memory_space<hbm>> -> memref<16x1024xf32, #tpu.memory_space<hbm>>
      tpu.enqueue_dma source(%arg11 : memref<16x1024xf32, #tpu.memory_space<vmem>>) target(%dma_start3A_292 : memref<16x1024xf32, #tpu.memory_space<hbm>>) target_semaphore(%arg23 : memref<!tpu.dma_semaphore, #tpu.memory_space<semaphore_mem>>)
    }
    %scan3A_48 = arith.constant 10 : i32
    %dma_wait3A = arith.constant 60 : i32
    %dma_wait3A_49 = arith.constant 0 : i32
    %dma_wait3A_50 = tpu.memref_slice %arg5[%dma_wait3A, %dma_wait3A_49] : memref<64x16xi32, #tpu.memory_space<vmem>> -> memref<1x16xi32, #tpu.memory_space<vmem>>
    %dma_wait3A_51 = tpu.memref_squeeze %dma_wait3A_50 : memref<1x16xi32, #tpu.memory_space<vmem>> -> memref<16xi32, #tpu.memory_space<vmem>>
    %dma_wait3A_52 = arith.constant 0 : i32
    %dma_wait3A_53 = arith.constant 0 : i32
    %dma_wait3A_54 = tpu.memref_slice %arg3[%dma_wait3A_52, %dma_wait3A_53] : memref<8192x1024xf32, #tpu.memory_space<hbm>> -> memref<8192x1024xf32, #tpu.memory_space<hbm>>
    tpu.wait_indirect_dma semaphore(%arg12 : memref<!tpu.dma_semaphore, #tpu.memory_space<semaphore_mem>>) src(%dma_wait3A_54 : memref<8192x1024xf32, #tpu.memory_space<hbm>>) dst(%arg6 : memref<16x1024xf32, #tpu.memory_space<vmem>>)
    %add3A_55 = arith.constant 960 : i32
    %add3A_56 = arith.addi %mul3A_2, %add3A_55 : i32
    %dma_start3A_57 = arith.constant 0 : i32
    %dma_start3A_58 = tpu.memref_slice %arg4[%add3A_56, %dma_start3A_57] : memref<32768x1024xf32, #tpu.memory_space<hbm>> -> memref<16x1024xf32, #tpu.memory_space<hbm>>
    %dma_start3A_59 = arith.constant 0 : i32
    %dma_start3A_60 = tpu.memref_slice %arg4[%add3A_56, %dma_start3A_59] : memref<32768x1024xf32, #tpu.memory_space<hbm>> -> memref<16x1024xf32, #tpu.memory_space<hbm>>
    tpu.enqueue_dma source(%arg6 : memref<16x1024xf32, #tpu.memory_space<vmem>>) target(%dma_start3A_60 : memref<16x1024xf32, #tpu.memory_space<hbm>>) target_semaphore(%arg18 : memref<!tpu.dma_semaphore, #tpu.memory_space<semaphore_mem>>)
    %dma_wait3A_61 = arith.constant 61 : i32
    %dma_wait3A_62 = arith.constant 0 : i32
    %dma_wait3A_63 = tpu.memref_slice %arg5[%dma_wait3A_61, %dma_wait3A_62] : memref<64x16xi32, #tpu.memory_space<vmem>> -> memref<1x16xi32, #tpu.memory_space<vmem>>
    %dma_wait3A_64 = tpu.memref_squeeze %dma_wait3A_63 : memref<1x16xi32, #tpu.memory_space<vmem>> -> memref<16xi32, #tpu.memory_space<vmem>>
    %dma_wait3A_65 = arith.constant 0 : i32
    %dma_wait3A_66 = arith.constant 0 : i32
    %dma_wait3A_67 = tpu.memref_slice %arg3[%dma_wait3A_65, %dma_wait3A_66] : memref<8192x1024xf32, #tpu.memory_space<hbm>> -> memref<8192x1024xf32, #tpu.memory_space<hbm>>
    tpu.wait_indirect_dma semaphore(%arg13 : memref<!tpu.dma_semaphore, #tpu.memory_space<semaphore_mem>>) src(%dma_wait3A_67 : memref<8192x1024xf32, #tpu.memory_space<hbm>>) dst(%arg7 : memref<16x1024xf32, #tpu.memory_space<vmem>>)
    %add3A_68 = arith.constant 976 : i32
    %add3A_69 = arith.addi %mul3A_2, %add3A_68 : i32
    %dma_start3A_70 = arith.constant 0 : i32
    %dma_start3A_71 = tpu.memref_slice %arg4[%add3A_69, %dma_start3A_70] : memref<32768x1024xf32, #tpu.memory_space<hbm>> -> memref<16x1024xf32, #tpu.memory_space<hbm>>
    %dma_start3A_72 = arith.constant 0 : i32
    %dma_start3A_73 = tpu.memref_slice %arg4[%add3A_69, %dma_start3A_72] : memref<32768x1024xf32, #tpu.memory_space<hbm>> -> memref<16x1024xf32, #tpu.memory_space<hbm>>
    tpu.enqueue_dma source(%arg7 : memref<16x1024xf32, #tpu.memory_space<vmem>>) target(%dma_start3A_73 : memref<16x1024xf32, #tpu.memory_space<hbm>>) target_semaphore(%arg19 : memref<!tpu.dma_semaphore, #tpu.memory_space<semaphore_mem>>)
    %dma_wait3A_74 = arith.constant 62 : i32
    %dma_wait3A_75 = arith.constant 0 : i32
    %dma_wait3A_76 = tpu.memref_slice %arg5[%dma_wait3A_74, %dma_wait3A_75] : memref<64x16xi32, #tpu.memory_space<vmem>> -> memref<1x16xi32, #tpu.memory_space<vmem>>
    %dma_wait3A_77 = tpu.memref_squeeze %dma_wait3A_76 : memref<1x16xi32, #tpu.memory_space<vmem>> -> memref<16xi32, #tpu.memory_space<vmem>>
    %dma_wait3A_78 = arith.constant 0 : i32
    %dma_wait3A_79 = arith.constant 0 : i32
    %dma_wait3A_80 = tpu.memref_slice %arg3[%dma_wait3A_78, %dma_wait3A_79] : memref<8192x1024xf32, #tpu.memory_space<hbm>> -> memref<8192x1024xf32, #tpu.memory_space<hbm>>
    tpu.wait_indirect_dma semaphore(%arg14 : memref<!tpu.dma_semaphore, #tpu.memory_space<semaphore_mem>>) src(%dma_wait3A_80 : memref<8192x1024xf32, #tpu.memory_space<hbm>>) dst(%arg8 : memref<16x1024xf32, #tpu.memory_space<vmem>>)
    %add3A_81 = arith.constant 992 : i32
    %add3A_82 = arith.addi %mul3A_2, %add3A_81 : i32
    %dma_start3A_83 = arith.constant 0 : i32
    %dma_start3A_84 = tpu.memref_slice %arg4[%add3A_82, %dma_start3A_83] : memref<32768x1024xf32, #tpu.memory_space<hbm>> -> memref<16x1024xf32, #tpu.memory_space<hbm>>
    %dma_start3A_85 = arith.constant 0 : i32
    %dma_start3A_86 = tpu.memref_slice %arg4[%add3A_82, %dma_start3A_85] : memref<32768x1024xf32, #tpu.memory_space<hbm>> -> memref<16x1024xf32, #tpu.memory_space<hbm>>
    tpu.enqueue_dma source(%arg8 : memref<16x1024xf32, #tpu.memory_space<vmem>>) target(%dma_start3A_86 : memref<16x1024xf32, #tpu.memory_space<hbm>>) target_semaphore(%arg20 : memref<!tpu.dma_semaphore, #tpu.memory_space<semaphore_mem>>)
    %dma_wait3A_87 = arith.constant 63 : i32
    %dma_wait3A_88 = arith.constant 0 : i32
    %dma_wait3A_89 = tpu.memref_slice %arg5[%dma_wait3A_87, %dma_wait3A_88] : memref<64x16xi32, #tpu.memory_space<vmem>> -> memref<1x16xi32, #tpu.memory_space<vmem>>
    %dma_wait3A_90 = tpu.memref_squeeze %dma_wait3A_89 : memref<1x16xi32, #tpu.memory_space<vmem>> -> memref<16xi32, #tpu.memory_space<vmem>>
    %dma_wait3A_91 = arith.constant 0 : i32
    %dma_wait3A_92 = arith.constant 0 : i32
    %dma_wait3A_93 = tpu.memref_slice %arg3[%dma_wait3A_91, %dma_wait3A_92] : memref<8192x1024xf32, #tpu.memory_space<hbm>> -> memref<8192x1024xf32, #tpu.memory_space<hbm>>
    tpu.wait_indirect_dma semaphore(%arg15 : memref<!tpu.dma_semaphore, #tpu.memory_space<semaphore_mem>>) src(%dma_wait3A_93 : memref<8192x1024xf32, #tpu.memory_space<hbm>>) dst(%arg9 : memref<16x1024xf32, #tpu.memory_space<vmem>>)
    %add3A_94 = arith.constant 1008 : i32
    %add3A_95 = arith.addi %mul3A_2, %add3A_94 : i32
    %dma_start3A_96 = arith.constant 0 : i32
    %dma_start3A_97 = tpu.memref_slice %arg4[%add3A_95, %dma_start3A_96] : memref<32768x1024xf32, #tpu.memory_space<hbm>> -> memref<16x1024xf32, #tpu.memory_space<hbm>>
    %dma_start3A_98 = arith.constant 0 : i32
    %dma_start3A_99 = tpu.memref_slice %arg4[%add3A_95, %dma_start3A_98] : memref<32768x1024xf32, #tpu.memory_space<hbm>> -> memref<16x1024xf32, #tpu.memory_space<hbm>>
    tpu.enqueue_dma source(%arg9 : memref<16x1024xf32, #tpu.memory_space<vmem>>) target(%dma_start3A_99 : memref<16x1024xf32, #tpu.memory_space<hbm>>) target_semaphore(%arg21 : memref<!tpu.dma_semaphore, #tpu.memory_space<semaphore_mem>>)
    %dma_wait3A_100 = arith.constant 0 : i32
    %dma_wait3A_101 = tpu.memref_slice %arg4[%mul3A_2, %dma_wait3A_100] : memref<32768x1024xf32, #tpu.memory_space<hbm>> -> memref<16x1024xf32, #tpu.memory_space<hbm>>
    %dma_wait3A_102 = arith.constant 0 : i32
    %dma_wait3A_103 = tpu.memref_slice %arg4[%mul3A_2, %dma_wait3A_102] : memref<32768x1024xf32, #tpu.memory_space<hbm>> -> memref<16x1024xf32, #tpu.memory_space<hbm>>
    tpu.wait_dma2 semaphore(%arg18 : memref<!tpu.dma_semaphore, #tpu.memory_space<semaphore_mem>>) src(%arg6 : memref<16x1024xf32, #tpu.memory_space<vmem>>) dst(%dma_wait3A_103 : memref<16x1024xf32, #tpu.memory_space<hbm>>)
    %dma_wait3A_104 = arith.constant 0 : i32
    %dma_wait3A_105 = tpu.memref_slice %arg4[%mul3A_2, %dma_wait3A_104] : memref<32768x1024xf32, #tpu.memory_space<hbm>> -> memref<16x1024xf32, #tpu.memory_space<hbm>>
    %dma_wait3A_106 = arith.constant 0 : i32
    %dma_wait3A_107 = tpu.memref_slice %arg4[%mul3A_2, %dma_wait3A_106] : memref<32768x1024xf32, #tpu.memory_space<hbm>> -> memref<16x1024xf32, #tpu.memory_space<hbm>>
    tpu.wait_dma2 semaphore(%arg19 : memref<!tpu.dma_semaphore, #tpu.memory_space<semaphore_mem>>) src(%arg7 : memref<16x1024xf32, #tpu.memory_space<vmem>>) dst(%dma_wait3A_107 : memref<16x1024xf32, #tpu.memory_space<hbm>>)
    %dma_wait3A_108 = arith.constant 0 : i32
    %dma_wait3A_109 = tpu.memref_slice %arg4[%mul3A_2, %dma_wait3A_108] : memref<32768x1024xf32, #tpu.memory_space<hbm>> -> memref<16x1024xf32, #tpu.memory_space<hbm>>
    %dma_wait3A_110 = arith.constant 0 : i32
    %dma_wait3A_111 = tpu.memref_slice %arg4[%mul3A_2, %dma_wait3A_110] : memref<32768x1024xf32, #tpu.memory_space<hbm>> -> memref<16x1024xf32, #tpu.memory_space<hbm>>
    tpu.wait_dma2 semaphore(%arg20 : memref<!tpu.dma_semaphore, #tpu.memory_space<semaphore_mem>>) src(%arg8 : memref<16x1024xf32, #tpu.memory_space<vmem>>) dst(%dma_wait3A_111 : memref<16x1024xf32, #tpu.memory_space<hbm>>)
    %dma_wait3A_112 = arith.constant 0 : i32
    %dma_wait3A_113 = tpu.memref_slice %arg4[%mul3A_2, %dma_wait3A_112] : memref<32768x1024xf32, #tpu.memory_space<hbm>> -> memref<16x1024xf32, #tpu.memory_space<hbm>>
    %dma_wait3A_114 = arith.constant 0 : i32
    %dma_wait3A_115 = tpu.memref_slice %arg4[%mul3A_2, %dma_wait3A_114] : memref<32768x1024xf32, #tpu.memory_space<hbm>> -> memref<16x1024xf32, #tpu.memory_space<hbm>>
    tpu.wait_dma2 semaphore(%arg21 : memref<!tpu.dma_semaphore, #tpu.memory_space<semaphore_mem>>) src(%arg9 : memref<16x1024xf32, #tpu.memory_space<vmem>>) dst(%dma_wait3A_115 : memref<16x1024xf32, #tpu.memory_space<hbm>>)
    %dma_wait3A_116 = arith.constant 0 : i32
    %dma_wait3A_117 = tpu.memref_slice %arg4[%mul3A_2, %dma_wait3A_116] : memref<32768x1024xf32, #tpu.memory_space<hbm>> -> memref<16x1024xf32, #tpu.memory_space<hbm>>
    %dma_wait3A_118 = arith.constant 0 : i32
    %dma_wait3A_119 = tpu.memref_slice %arg4[%mul3A_2, %dma_wait3A_118] : memref<32768x1024xf32, #tpu.memory_space<hbm>> -> memref<16x1024xf32, #tpu.memory_space<hbm>>
    tpu.wait_dma2 semaphore(%arg22 : memref<!tpu.dma_semaphore, #tpu.memory_space<semaphore_mem>>) src(%arg10 : memref<16x1024xf32, #tpu.memory_space<vmem>>) dst(%dma_wait3A_119 : memref<16x1024xf32, #tpu.memory_space<hbm>>)
    %dma_wait3A_120 = arith.constant 0 : i32
    %dma_wait3A_121 = tpu.memref_slice %arg4[%mul3A_2, %dma_wait3A_120] : memref<32768x1024xf32, #tpu.memory_space<hbm>> -> memref<16x1024xf32, #tpu.memory_space<hbm>>
    %dma_wait3A_122 = arith.constant 0 : i32
    %dma_wait3A_123 = tpu.memref_slice %arg4[%mul3A_2, %dma_wait3A_122] : memref<32768x1024xf32, #tpu.memory_space<hbm>> -> memref<16x1024xf32, #tpu.memory_space<hbm>>
    tpu.wait_dma2 semaphore(%arg23 : memref<!tpu.dma_semaphore, #tpu.memory_space<semaphore_mem>>) src(%arg11 : memref<16x1024xf32, #tpu.memory_space<vmem>>) dst(%dma_wait3A_123 : memref<16x1024xf32, #tpu.memory_space<hbm>>)
    return
  }
}

</mosaic_0001>

<sc_bundles>
// kernel: kernel.3.cloned.1.call-start
scs
__scs_entry_jumppad:
0x0: {  	(pc) =	sbr.rel $0x88, $3  }
0x1: {  	(tag) =	ssettag $0x0;
	lr =	simm.s32 $0x1  }
0x2: {  	[smem:$0x3F9F] =	sst lr;
	_ =	strace $0xD0000000  }
0x3: {  	_ = 	snop  }
0x4: {  	_ = 	snop  }
0x5: {  	_ = 	snop  }
0x6: {  	_ = 	snop  }
0x7: {  	_ = 	snop  }
__scs_overlays_trampoline_lowered:
0x8: {  	[smem:$0x3FAE] =	sst s0  }
0x9: {  	[smem:$0x3FAF] =	sst s1  }
0xa: {  	[smem:$0x3FB0] =	sst s2  }
0xb: {  	[smem:$0x3FB1] =	sst s3  }
0xc: {  	[smem:$0x3FB2] =	sst s4  }
0xd: {  	[smem:$0x3FB3] =	sst s5  }
0xe: {  	[smem:$0x3FB4] =	sst s6  }
0xf: {  	[smem:$0x3FB5] =	sst s7  }
0x10: {  	[smem:$0x3FB6] =	sst s8  }
0x11: {  	[smem:$0x3FB7] =	sst s9;
	s0 =	simm.s32 @!p0 $0x0  }
0x12: {  	s1 =	sld [smem:$0x3F9D];
	s0 =	simm.s32 @p0 $0x1  }
0x13: {  	[smem:$0x3FB8] =	sst s0;
	s0 =	simm.s32 @!p1 $0x0  }
0x14: {  	s2 =	sld [smem:$0x3F9C];
	s0 =	simm.s32 @p1 $0x1  }
0x15: {  	[smem:$0x3FB9] =	sst s0;
	s0 =	simm.s32 @!p2 $0x0  }
0x16: {  	s3 =	sld [smem:$0x3FDB];
	s0 =	simm.s32 @p2 $0x1  }
0x17: {  	s4 =	simm.s32 $0x1BF5;
	[smem:$0x3FBB] =	sst s0  }
0x18: {  	s0 =	sld [smem:$0x3F9E];
	_ =	swait.ge [sflag:s4], $0x0  }
0x19: {  	s7 =	sld [smem:$0x3F9F]  }
0x1a: {  	s8 =	sadd.s32 $0xFFFFE003, lr  }
0x1b: {  	s9 =	sadd.s32 $0xFFFFFEF7, lr;
	s5 =	simm.s32 $0xFFFFFFFF;
	p2 =	slt.u32 s8, $0xFFFFF086  }
0x1c: {  	p1 =	slt.u32 s9, $0xF7A;
	s5 =	simm.s32 @!p2 $0x0  }
0x1d: {  	s5 =	simm.s32 @p1 $0x1;
	p0 =	seq.s32 s7, s2  }
0x1e: {  	s7 =	smul.u32 @!p0 $0xF7A, s2;
	p2 =	seq.s32 @!p0 s5, $0x0  }
0x1f: {  	s9 =	smul.u32 $0xF7A, s1;
	s8 =	simm.s32 @!p0 $0x1BF5;
	p2 =	por !p2, p0  }
0x20: {  	[sflag:s8] =	ssyncset.s32 @!p0 $0xFFFFF086;
	s6 =	sadd.s32 @!p0 s3, s7;
	s7 =	simm.s32 @!p0 $0x108  }
0x21: {  	s3 =	sadd.s32 s3, s9;
	s6 =	sadd.s32 @!p0 $0x88, s6;
	s7 =	simm.s32 @p2 $0x1082  }
0x22: {  	[simem:s7], [sflag:s8] =	dma.local @!p0 [hbm:s6], $0xF7A  }
0x23: {  	s9 =	sor.u32 $0xD0000000, s2;
	s6 =	simm.s32 $0x108;
	_ =	swait.ge @!p0 [sflag:s8], $0x0  }
0x24: {  	s3 =	sadd.s32 $0x88, s3;
	s6 =	simm.s32 @!p1 $0x1082;
	[sflag:s4] =	ssyncset.s32 $0xFFFFF086  }
0x25: {  	[simem:s6], [sflag:s4] =	dma.local [hbm:s3], $0xF7A  }
0x26: {  	[smem:$0x3F9F] =	sst s1;
	(tag) =	ssettag s2;
	_ =	strace s9  }
0x27: {  	s1 =	sld [smem:$0x3FAF]  }
0x28: {  	s2 =	sld [smem:$0x3FB0]  }
0x29: {  	s4 =	sld [smem:$0x3FB2]  }
0x2a: {  	p0 =	seq.s32 s5, $0x0;
	s5 =	sld [smem:$0x3FB3]  }
0x2b: {  	s6 =	sld [smem:$0x3FB4]  }
0x2c: {  	s7 =	sld [smem:$0x3FB5]  }
0x2d: {  	s3 =	simm.s32 $0x108;
	s8 =	sld [smem:$0x3FB6]  }
0x2e: {  	s3 =	simm.s32 @!p0 $0x1082;
	s9 =	sld [smem:$0x3FB7]  }
0x2f: {  	lr =	sadd.s32 s0, s3;
	s0 =	sld [smem:$0x3FAE]  }
0x30: {  	s3 =	sld [smem:$0x3FB1]  }
0x31: {  	[smem:$0x3FBA] =	sst s10  }
0x32: {  	s10 =	sld [smem:$0x3FB8];
	_ =	sdelay $0x3  }
0x33: {  	p0 =	seq.s32 s10, $0x1;
	s10 =	sld [smem:$0x3FBA];
	_ =	sdelay $0x3  }
0x34: {  	[smem:$0x3FBA] =	sst s10  }
0x35: {  	s10 =	sld [smem:$0x3FB9];
	_ =	sdelay $0x3  }
0x36: {  	p1 =	seq.s32 s10, $0x1;
	s10 =	sld [smem:$0x3FBA];
	_ =	sdelay $0x3  }
0x37: {  	[smem:$0x3FBA] =	sst s10  }
0x38: {  	s10 =	sld [smem:$0x3FBB]  }
0x39: {  	_ = 	snop;
	(pc) =	sbr.ind lr, $3  }
0x3a: {  	_ = 	snop  }
0x3b: {  	_ = 	snop  }
0x3c: {  	p2 =	seq.s32 s10, $0x1;
	s10 =	sld [smem:$0x3FBA]  }
0x3d: {  	_ =	shalt  }
0x3e: {  	_ =	shalt  }
0x3f: {  	_ =	shalt  }
0x40: {  	_ =	shalt  }
0x41: {  	_ =	shalt  }
0x42: {  	_ =	shalt  }
0x43: {  	_ =	shalt  }
0x44: {  	_ =	shalt  }
0x45: {  	_ =	shalt  }
0x46: {  	_ =	shalt  }
0x47: {  	_ =	shalt  }
0x48: {  	_ =	shalt  }
0x49: {  	_ =	shalt  }
0x4a: {  	_ =	shalt  }
0x4b: {  	_ =	shalt  }
0x4c: {  	_ =	shalt  }
0x4d: {  	_ =	shalt  }
0x4e: {  	_ =	shalt  }
0x4f: {  	_ =	shalt  }
0x50: {  	_ =	shalt  }
0x51: {  	_ =	shalt  }
0x52: {  	_ =	shalt  }
0x53: {  	_ =	shalt  }
0x54: {  	_ =	shalt  }
0x55: {  	_ =	shalt  }
0x56: {  	_ =	shalt  }
0x57: {  	_ =	shalt  }
0x58: {  	_ =	shalt  }
0x59: {  	_ =	shalt  }
0x5a: {  	_ =	shalt  }
0x5b: {  	_ =	shalt  }
0x5c: {  	_ =	shalt  }
0x5d: {  	_ =	shalt  }
0x5e: {  	_ =	shalt  }
0x5f: {  	_ =	shalt  }
0x60: {  	_ =	shalt  }
0x61: {  	_ =	shalt  }
0x62: {  	_ =	shalt  }
0x63: {  	_ =	shalt  }
0x64: {  	_ =	shalt  }
0x65: {  	_ =	shalt  }
0x66: {  	_ =	shalt  }
0x67: {  	_ =	shalt  }
0x68: {  	_ =	shalt  }
0x69: {  	_ =	shalt  }
0x6a: {  	_ =	shalt  }
0x6b: {  	_ =	shalt  }
0x6c: {  	_ =	shalt  }
0x6d: {  	_ =	shalt  }
0x6e: {  	_ =	shalt  }
0x6f: {  	_ =	shalt  }
0x70: {  	_ =	shalt  }
0x71: {  	_ =	shalt  }
0x72: {  	_ =	shalt  }
0x73: {  	_ =	shalt  }
0x74: {  	_ =	shalt  }
0x75: {  	_ =	shalt  }
0x76: {  	_ =	shalt  }
0x77: {  	_ =	shalt  }
0x78: {  	_ =	shalt  }
0x79: {  	_ =	shalt  }
0x7a: {  	_ =	shalt  }
0x7b: {  	_ =	shalt  }
0x7c: {  	_ =	shalt  }
0x7d: {  	_ =	shalt  }
0x7e: {  	_ =	shalt  }
0x7f: {  	_ =	shalt  }
0x80: {  	_ =	shalt  }
0x81: {  	_ =	shalt  }
0x82: {  	_ =	shalt  }
0x83: {  	_ =	shalt  }
0x84: {  	_ =	shalt  }
0x85: {  	_ =	shalt  }
0x86: {  	_ =	shalt  }
0x87: {  	_ =	shalt  }
.Lfunc_end0:
.L_simem_size_0:
called_computation_lowered:
.L_overlay_start_0:
0x88: {  	s2 =	sld [smem:$0x3FD9]  }
0x89: {  	s3 =	sld [smem:$0x3FFE];
	_ =	sdelay $0x1  }
0x8a: {  	s1 =	srdreg.scid  }
0x8b: {  	s0 =	sand.u32 $0x1, s1  }
0x8c: {  	s17 =	sshll.u32 s0, $0xA;
	s2 =	sadd.s32 s3, s2  }
0x8d: {  	s2 =	sadd.s32 s2, s17  }
0x8e: {  	[smem:$0x3FC6] =	sst s2  }
0x8f: {  	_ = 	snop  }
0x90: {  	s2 =	sld [smem:$0x3FC8]  }
0x91: {  	s18 =	sld [smem:$0x3FD0];
	(tm) =	ssettm $0x1  }
0x92: {  	s4 =	sld [smem:$0x3FFB];
	_ =	sdelay $0x3  }
0x93: {  	_ =	strace s4  }
0x94: {  	s4 =	sld [smem:$0x3FFC];
	_ =	sdelay $0x3  }
0x95: {  	_ =	strace s4  }
0x96: {  	s4 =	sld [smem:$0x3FFD];
	_ =	sdelay $0x3  }
0x97: {  	_ =	strace s4  }
0x98: {  	_ =	strace $0x8FFFFFFF  }
0x99: {  	s19 =	sld [smem:$0x3FDB];
	_ =	sdelay $0x1  }
0x9a: {  	s5 =	simm.s32 $_scs_section_size  }
0x9b: {  	s6 =	simm.s32 $_size__tile_overlayer_lowered;
	s7 =	simm.s32 $_tile_overlayer_lowered  }
0x9c: {  	s22 =	simm.s32 $0x1BFF;
	s21 =	sshll.u32 s7, $0x1;
	s4 =	sadd.s32 s5, s19  }
0x9d: {  	s8 =	simm.s32 $0x0;
	s20 =	sshll.u32 s6, $0x1;
	s6 =	sadd.s32 s21, s4  }
0x9e: {  	[timem:s8], [sflag:s22] =	dma.local [hbm:s6], s20  }
0x9f: {  	_ =	swait.ge [sflag:s22], s20  }
0xa0: {  	s5 =	ssub.s32 $0x0, s20;
	[sflag:s22] =	ssyncset.done $0x0  }
0xa1: {  	[sflag:s22] =	ssyncadd.s32 s5;
	_ =	sdelay $0x1  }
0xa2: {  	s23 =	simm.s32 $0x1B8B  }
0xa3: {  	_ =	swait.ge [sflag:s23], $0x1  }
0xa4: {  	[sflag:s23] =	ssyncset.done $0x0  }
0xa5: {  	s25 =	simm.s32 $0x1B8E;
	s24 =	sld [smem:$0x3FFE];
	[sflag:s23] =	ssyncadd.s32 $0xFFFFFFFF  }
0xa6: {  	s26 =	simm.s32 $execute0_lowered;
	[smem:$0x3FD2] =	sst s25  }
0xa7: {  	s6 =	sshll.u32 s26, $0x1;
	_ =	strace $0x80000046;
	[dreg:$0x1] =	wrdreg $0xFFFFFFFF  }
0xa8: {  	s28 =	simm.s32 $_size_execute0_lowered;
	s4 =	sadd.s32 s4, s6;
	[dreg:$0x0] =	wrdreg $0x0  }
0xa9: {  	s6 =	sshll.u32 s28, $0x1;
	[dreg:$0x2] =	wrdreg s4  }
0xaa: {  	[dreg:$0x3] =	wrdreg s6  }
0xab: {  	[dreg:$0x4] =	wrdreg $0xC0  }
0xac: {  	_ =	task [dreg:s8], $0x5FFFF  }
0xad: {  	[dreg:$0x1] =	wrdreg $0xFFFFFFFF  }
0xae: {  	[dreg:$0x0] =	wrdreg $0x60  }
0xaf: {  	[dreg:$0x2] =	wrdreg s24  }
0xb0: {  	[dreg:$0x3] =	wrdreg s2  }
0xb1: {  	[dreg:$0x4] =	wrdreg s18  }
0xb2: {  	[dreg:$0x5] =	wrdreg $0x9  }
0xb3: {  	_ =	task.clear_ibuf [dreg:s8], $0x6FFFF;
	_ =	strace $0x90000046  }
0xb4: {  	s29 =	simm.s32 $0x9;
	_ =	strace $0x80000048  }
0xb5: {  	_ =	swait.ge [sflag:s29], $0x1  }
0xb6: {  	[sflag:s29] =	ssyncadd.s32 $0xFFFFFFFF  }
0xb7: {  	_ =	strace $0x90000048  }
0xb8: {  	_ =	sfence  }
0xb9: {  	s30 =	sld [smem:$0x0];
	_ =	sdelay $0x2  }
0xba: {  	s31 =	sshll.u32 s1, $0xD;
	s1 =	sshrl.u32 s1, $0x2  }
0xbb: {  	s3 =	sand.u32 $0x4000, s31;
	s1 =	sadd.s32 s1, s30  }
0xbc: {  	s0 =	sor.u32 s3, s0;
	s1 =	sshll.u32 s1, $0x11  }
0xbd: {  	s0 =	sor.u32 s1, s0  }
0xbe: {  	s0 =	sadd.s32 $0x8F2B, s0  }
0xbf: {  	[sflag:s0] =	ssyncadd.remote.s32 $0x1  }
0xc0: {  	_ =	sfence.sel $0xFFFF  }
0xc1: {  	[dreg:$0x0] =	wrdreg $0xFFFFFFFF;
	(pc) =	sbr.abs _section_cstart, $3  }
0xc2: {  	[dreg:$0x1] =	wrdreg $0xFFFFFFFF  }
0xc3: {  	_ =	task.clear_ibuf [dreg:s8], $0x2FFFF;
	_ =	strace $0x9FFFFFFF  }
0xc4: {  	(tm) =	ssettm $0x7FFFFFFF  }
0xc5: {  	_ =	shalt  }
tec
execute0_lowered:
.L_overlay_start_1:
0x0: {  	(tag) =	ssettag $0x1  }
0x1: {  	s0 =	rddreg [dreg:$0x0]  }
0x2: {  	s2 =	rddreg [dreg:$0x1]  }
0x3: {  	s1 =	rddreg [dreg:$0x2]  }
0x4: {  	s3 =	srdreg.scid;
	s10 =	stileid.u32  }
0x5: {  	s13 =	simm.s32 $0x4000;
	s31 =	simm.s32 $0xA000;
	s12 =	simm.s32 $0xE000  }
0x6: {  	s28 =	simm.s32 $0x8;
	s29 =	simm.s32 $0x3;
	s30 =	simm.s32 $0x9  }
0x7: {  	s4 =	sand.u32 $0x1, s3;
	s5 =	sshll.u32 s10, $0x1;
	s3 =	simm.s32 $0x0  }
0x8: {  	s18 =	sshll.u32 s10, $0x12;
	s10 =	sshll.u32 s10, $0x15;
	s6 =	sor.u32 s4, s5  }
0x9: {  	s14 =	ssub.s32 $0x2, s4;
	[smem:$0x7FF] =	sst s3;
	s5 =	sadd.s32 $0x100, s2  }
0xa: {  	s11 =	sshll.u32 s4, $0x14;
	s4 =	sshll.u32 s4, $0x11;
	s7 =	sshll.u32 s6, $0xA  }
0xb: {  	s8 =	sshrl.u32 s14, $0x1;
	_ =	strace $0x80000047;
	s15 =	sshll.u32 s6, $0x11  }
0xc: {  	s6 =	sadd.s32 $0x200, s2;
	s10 =	sor.u32 s11, s10;
	s11 =	simm.s32 $0x3800  }
0xd: {  	s0 =	sadd.s32 s7, s0;
	s8 =	ssub.s32 s14, s8;
	s7 =	sadd.s32 $0x300, s2  }
0xe: {  	s20 =	sor.u32 $0x8000, s10;
	s22 =	sor.u32 $0xC000, s10;
	s23 =	sor.u32 $0x10000, s10  }
0xf: {  	s14 =	simm.s32 $0x2000;
	s10 =	simm.s32 $0x3000;
	s0 =	sadd.s32 $0x400, s0  }
0x10: {  	s21 =	sshrl.u32 s20, $0x3;
	s25 =	sshrl.u32 s23, $0x3;
	s8 =	smax.u32 s8, $0x1  }
0x11: {  	s20 =	simm.s32 $0x7000;
	s23 =	simm.s32 $0x8000;
	[dreg:$0x8] =	wrdreg s0  }
0x12: {  	s0 =	sadd.s32 s15, s1;
	[dreg:$0xd] =	wrdreg s8;
	s26 =	sadd.s32 s25, s1  }
0x13: {  	s15 =	simm.s32 $0x2800;
	s9 =	sadd.s32 $0x1E000, s0;
	[dreg:$0x7] =	wrdreg s26  }
0x14: {  	s25 =	simm.s32 $0x7;
	s16 =	sadd.s32 $0x1E800, s0;
	[dreg:$0x9] =	wrdreg s9  }
0x15: {  	s8 =	simm.s32 $0x6;
	s17 =	sadd.s32 $0x1F000, s0;
	[dreg:$0xa] =	wrdreg s16  }
0x16: {  	s0 =	sadd.s32 $0x1F800, s0;
	s26 =	simm.s32 $0x2;
	[dreg:$0xb] =	wrdreg s17  }
0x17: {  	s9 =	sadd.s32 s18, s1;
	[dreg:$0xc] =	wrdreg s0;
	s0 =	sadd.s32 s21, s1  }
0x18: {  	s16 =	simm.s32 $0x4800;
	s17 =	simm.s32 $0x5000;
	s18 =	simm.s32 $0x5800  }
0x19: {  	s21 =	simm.s32 $0x7800;
	s19 =	sadd.s32 s4, s9;
	s4 =	sshrl.u32 s22, $0x3  }
0x1a: {  	[dreg:$0x5] =	wrdreg s0;
	s22 =	simm.s32 $0x6000;
	s0 =	simm.s32 $0x4  }
0x1b: {  	v2 =	vlaneseq.u32;
	s9 =	simm.s32 $0x0;
	[dreg:$0x4] =	wrdreg s19;
	s24 =	sadd.s32 s4, s1  }
0x1c: {  	vm0 =	vmmov $0xffff;
	v1 =	vshrl.u32 v2, $0x3;
	s19 =	simm.s32 $0x6800;
	s1 =	simm.s32 $0xA;
	[dreg:$0xe] =	wrdreg s9  }
0x1d: {  	v0 =	vand.u32 $0x7, v2;
	v2 =	vor.u32 $0x8, v2;
	v1 =	vmul.u32 $0x8, v1;
	s4 =	simm.s32 $0x5;
	[dreg:$0x6] =	wrdreg s24;
	s24 =	simm.s32 $0x1  }
.LBB2_1:
0x1e: {  	s9 =	rddreg [dreg:$0x8]  }
0x1f: {  	[tilespmem:s3], [sflag:$0xD] =	stream.linear.gather [hbm4b:s9+s3], $0x2000, $0x38;
	[tilespmem:$0x1A000] =	vst v63  }
0x20: {  	s9 =	simm.s32 $0xD  }
0x21: {  	_ =	swait.ge [sflag:s9], $0x2000  }
0x22: {  	[sflag:s9] =	ssyncset.done $0x0  }
0x23: {  	[sflag:s9] =	ssyncadd.s32 $0xFFFFE000  }
0x24: {  	v3 =	vld [tilespmem:$0x0];
	_ =	sdelay $0x4  }
0x25: {  	v4 =	vshll.u32 v3, $0x3  }
0x26: {  	v3 =	vand.u32 $0x7, v3;
	v4 =	vand.u32 $0xFFFFFFC0, v4  }
0x27: {  	v3 =	vor.u32 v3, v4  }
0x28: {  	v4 =	vperm.xlane v3, v0;
	_ =	sdelay $0x1  }
0x29: {  	v4 =	vadd.s32 v1, v4;
	_ =	sdelay $0x4  }
0x2a: {  	[tilespmem:s14], [sflag:$0x1] =	stream.indirect_vreg.gather [hbm4b:s2+s3], $0x80, v4, vm0, $0xb8;
	[tilespmem:$0x1A000] =	vst v63  }
0x2b: {  	v3 =	vperm.xlane v3, v2  }
0x2c: {  	[tilespmem:s15], [sflag:$0x1] =	stream.indirect_vreg.gather [hbm4b:s5+s3], $0x80, v4, vm0, $0xb8;
	[tilespmem:$0x1A000] =	vst v63  }
0x2d: {  	v3 =	vadd.s32 v1, v3  }
0x2e: {  	[tilespmem:s10], [sflag:$0x1] =	stream.indirect_vreg.gather [hbm4b:s6+s3], $0x80, v4, vm0, $0xb8;
	[tilespmem:$0x1A000] =	vst v63  }
0x2f: {  	_ = 	snop  }
0x30: {  	[tilespmem:s11], [sflag:$0x1] =	stream.indirect_vreg.gather [hbm4b:s7+s3], $0x80, v4, vm0, $0xb8;
	[tilespmem:$0x1A000] =	vst v63  }
0x31: {  	_ = 	snop  }
0x32: {  	[tilespmem:s13], [sflag:$0x1] =	stream.indirect_vreg.gather [hbm4b:s2+s3], $0x80, v3, vm0, $0xb8;
	[tilespmem:$0x1A000] =	vst v63  }
0x33: {  	_ = 	snop  }
0x34: {  	[tilespmem:s16], [sflag:$0x1] =	stream.indirect_vreg.gather [hbm4b:s5+s3], $0x80, v3, vm0, $0xb8;
	[tilespmem:$0x1A000] =	vst v63  }
0x35: {  	_ = 	snop  }
0x36: {  	[tilespmem:s17], [sflag:$0x1] =	stream.indirect_vreg.gather [hbm4b:s6+s3], $0x80, v3, vm0, $0xb8;
	[tilespmem:$0x1A000] =	vst v63  }
0x37: {  	_ = 	snop  }
0x38: {  	[tilespmem:s18], [sflag:$0x1] =	stream.indirect_vreg.gather [hbm4b:s7+s3], $0x80, v3, vm0, $0xb8;
	[tilespmem:$0x1A000] =	vst v63  }
0x39: {  	v3 =	vld [tilespmem:$0x80];
	_ =	sdelay $0x4  }
0x3a: {  	v59 =	vshll.u32 v3, $0x3  }
0x3b: {  	v3 =	vand.u32 $0x7, v3;
	v4 =	vand.u32 $0xFFFFFFC0, v59  }
0x3c: {  	v3 =	vor.u32 v3, v4  }
0x3d: {  	v4 =	vperm.xlane v3, v0;
	_ =	sdelay $0x1  }
0x3e: {  	v4 =	vadd.s32 v1, v4;
	_ =	sdelay $0x4  }
0x3f: {  	[tilespmem:s22], [sflag:$0x2] =	stream.indirect_vreg.gather [hbm4b:s2+s3], $0x80, v4, vm0, $0xb8;
	[tilespmem:$0x1A000] =	vst v63  }
0x40: {  	v3 =	vperm.xlane v3, v2  }
0x41: {  	[tilespmem:s19], [sflag:$0x2] =	stream.indirect_vreg.gather [hbm4b:s5+s3], $0x80, v4, vm0, $0xb8;
	[tilespmem:$0x1A000] =	vst v63  }
0x42: {  	v3 =	vadd.s32 v1, v3  }
0x43: {  	[tilespmem:s20], [sflag:$0x2] =	stream.indirect_vreg.gather [hbm4b:s6+s3], $0x80, v4, vm0, $0xb8;
	[tilespmem:$0x1A000] =	vst v63  }
0x44: {  	_ = 	snop  }
0x45: {  	[tilespmem:s21], [sflag:$0x2] =	stream.indirect_vreg.gather [hbm4b:s7+s3], $0x80, v4, vm0, $0xb8;
	[tilespmem:$0x1A000] =	vst v63  }
0x46: {  	_ = 	snop  }
0x47: {  	[tilespmem:s23], [sflag:$0x2] =	stream.indirect_vreg.gather [hbm4b:s2+s3], $0x80, v3, vm0, $0xb8;
	[tilespmem:$0x1A000] =	vst v63  }
0x48: {  	s20 =	simm.s32 $0x8800  }
0x49: {  	[tilespmem:s20], [sflag:$0x2] =	stream.indirect_vreg.gather [hbm4b:s5+s3], $0x80, v3, vm0, $0xb8;
	[tilespmem:$0x1A000] =	vst v63  }
0x4a: {  	s21 =	simm.s32 $0x9000  }
0x4b: {  	[tilespmem:s21], [sflag:$0x2] =	stream.indirect_vreg.gather [hbm4b:s6+s3], $0x80, v3, vm0, $0xb8;
	[tilespmem:$0x1A000] =	vst v63  }
0x4c: {  	s23 =	simm.s32 $0x9800  }
0x4d: {  	[tilespmem:s23], [sflag:$0x2] =	stream.indirect_vreg.gather [hbm4b:s7+s3], $0x80, v3, vm0, $0xb8;
	[tilespmem:$0x1A000] =	vst v63  }
0x4e: {  	v3 =	vld [tilespmem:$0x100];
	_ =	sdelay $0x4  }
0x4f: {  	v60 =	vshll.u32 v3, $0x3  }
0x50: {  	v3 =	vand.u32 $0x7, v3;
	v4 =	vand.u32 $0xFFFFFFC0, v60  }
0x51: {  	v3 =	vor.u32 v3, v4  }
0x52: {  	v4 =	vperm.xlane v3, v0;
	_ =	sdelay $0x1  }
0x53: {  	v4 =	vadd.s32 v1, v4;
	_ =	sdelay $0x4  }
0x54: {  	[tilespmem:s31], [sflag:$0x3] =	stream.indirect_vreg.gather [hbm4b:s2+s3], $0x80, v4, vm0, $0xb8;
	[tilespmem:$0x1A000] =	vst v63  }
0x55: {  	s10 =	simm.s32 $0xA800;
	v3 =	vperm.xlane v3, v2  }
0x56: {  	[tilespmem:s10], [sflag:$0x3] =	stream.indirect_vreg.gather [hbm4b:s5+s3], $0x80, v4, vm0, $0xb8;
	[tilespmem:$0x1A000] =	vst v63  }
0x57: {  	s11 =	simm.s32 $0xB000;
	v3 =	vadd.s32 v1, v3  }
0x58: {  	[tilespmem:s11], [sflag:$0x3] =	stream.indirect_vreg.gather [hbm4b:s6+s3], $0x80, v4, vm0, $0xb8;
	[tilespmem:$0x1A000] =	vst v63  }
0x59: {  	s13 =	simm.s32 $0xB800  }
0x5a: {  	[tilespmem:s13], [sflag:$0x3] =	stream.indirect_vreg.gather [hbm4b:s7+s3], $0x80, v4, vm0, $0xb8;
	[tilespmem:$0x1A000] =	vst v63  }
0x5b: {  	s16 =	simm.s32 $0xC000  }
0x5c: {  	[tilespmem:s16], [sflag:$0x3] =	stream.indirect_vreg.gather [hbm4b:s2+s3], $0x80, v3, vm0, $0xb8;
	[tilespmem:$0x1A000] =	vst v63  }
0x5d: {  	s17 =	simm.s32 $0xC800  }
0x5e: {  	[tilespmem:s17], [sflag:$0x3] =	stream.indirect_vreg.gather [hbm4b:s5+s3], $0x80, v3, vm0, $0xb8;
	[tilespmem:$0x1A000] =	vst v63  }
0x5f: {  	s18 =	simm.s32 $0xD000  }
0x60: {  	[tilespmem:s18], [sflag:$0x3] =	stream.indirect_vreg.gather [hbm4b:s6+s3], $0x80, v3, vm0, $0xb8;
	[tilespmem:$0x1A000] =	vst v63  }
0x61: {  	s19 =	simm.s32 $0xD800  }
0x62: {  	[tilespmem:s19], [sflag:$0x3] =	stream.indirect_vreg.gather [hbm4b:s7+s3], $0x80, v3, vm0, $0xb8;
	[tilespmem:$0x1A000] =	vst v63  }
0x63: {  	v3 =	vld [tilespmem:$0x180];
	_ =	sdelay $0x4  }
0x64: {  	v61 =	vshll.u32 v3, $0x3  }
0x65: {  	v3 =	vand.u32 $0x7, v3;
	v4 =	vand.u32 $0xFFFFFFC0, v61  }
0x66: {  	v3 =	vor.u32 v3, v4  }
0x67: {  	v4 =	vperm.xlane v3, v0;
	_ =	sdelay $0x1  }
0x68: {  	v4 =	vadd.s32 v1, v4;
	_ =	sdelay $0x4  }
0x69: {  	[tilespmem:s12], [sflag:$0x4] =	stream.indirect_vreg.gather [hbm4b:s2+s3], $0x80, v4, vm0, $0xb8;
	[tilespmem:$0x1A000] =	vst v63  }
0x6a: {  	s20 =	simm.s32 $0xE800;
	v3 =	vperm.xlane v3, v2  }
0x6b: {  	[tilespmem:s20], [sflag:$0x4] =	stream.indirect_vreg.gather [hbm4b:s5+s3], $0x80, v4, vm0, $0xb8;
	[tilespmem:$0x1A000] =	vst v63  }
0x6c: {  	s21 =	simm.s32 $0xF000;
	v3 =	vadd.s32 v1, v3  }
0x6d: {  	[tilespmem:s21], [sflag:$0x4] =	stream.indirect_vreg.gather [hbm4b:s6+s3], $0x80, v4, vm0, $0xb8;
	[tilespmem:$0x1A000] =	vst v63  }
0x6e: {  	s23 =	simm.s32 $0xF800  }
0x6f: {  	[tilespmem:s23], [sflag:$0x4] =	stream.indirect_vreg.gather [hbm4b:s7+s3], $0x80, v4, vm0, $0xb8;
	[tilespmem:$0x1A000] =	vst v63  }
0x70: {  	s10 =	simm.s32 $0x10000  }
0x71: {  	[tilespmem:s10], [sflag:$0x4] =	stream.indirect_vreg.gather [hbm4b:s2+s3], $0x80, v3, vm0, $0xb8;
	[tilespmem:$0x1A000] =	vst v63  }
0x72: {  	s11 =	simm.s32 $0x10800  }
0x73: {  	[tilespmem:s11], [sflag:$0x4] =	stream.indirect_vreg.gather [hbm4b:s5+s3], $0x80, v3, vm0, $0xb8;
	[tilespmem:$0x1A000] =	vst v63  }
0x74: {  	s13 =	simm.s32 $0x11000  }
0x75: {  	[tilespmem:s13], [sflag:$0x4] =	stream.indirect_vreg.gather [hbm4b:s6+s3], $0x80, v3, vm0, $0xb8;
	[tilespmem:$0x1A000] =	vst v63  }
0x76: {  	s16 =	simm.s32 $0x11800  }
0x77: {  	[tilespmem:s16], [sflag:$0x4] =	stream.indirect_vreg.gather [hbm4b:s7+s3], $0x80, v3, vm0, $0xb8;
	[tilespmem:$0x1A000] =	vst v63  }
0x78: {  	v3 =	vld [tilespmem:$0x200];
	_ =	sdelay $0x4  }
0x79: {  	v62 =	vshll.u32 v3, $0x3  }
0x7a: {  	v3 =	vand.u32 $0x7, v3;
	v4 =	vand.u32 $0xFFFFFFC0, v62  }
0x7b: {  	v3 =	vor.u32 v3, v4  }
0x7c: {  	v4 =	vperm.xlane v3, v0;
	_ =	sdelay $0x1  }
0x7d: {  	v4 =	vadd.s32 v1, v4;
	_ =	sdelay $0x3  }
0x7e: {  	s17 =	simm.s32 $0x12000  }
0x7f: {  	[tilespmem:s17], [sflag:$0x5] =	stream.indirect_vreg.gather [hbm4b:s2+s3], $0x80, v4, vm0, $0xb8;
	[tilespmem:$0x1A000] =	vst v63  }
0x80: {  	s18 =	simm.s32 $0x12800;
	v3 =	vperm.xlane v3, v2  }
0x81: {  	[tilespmem:s18], [sflag:$0x5] =	stream.indirect_vreg.gather [hbm4b:s5+s3], $0x80, v4, vm0, $0xb8;
	[tilespmem:$0x1A000] =	vst v63  }
0x82: {  	s19 =	simm.s32 $0x13000;
	v3 =	vadd.s32 v1, v3  }
0x83: {  	[tilespmem:s19], [sflag:$0x5] =	stream.indirect_vreg.gather [hbm4b:s6+s3], $0x80, v4, vm0, $0xb8;
	[tilespmem:$0x1A000] =	vst v63  }
0x84: {  	s20 =	simm.s32 $0x13800  }
0x85: {  	[tilespmem:s20], [sflag:$0x5] =	stream.indirect_vreg.gather [hbm4b:s7+s3], $0x80, v4, vm0, $0xb8;
	[tilespmem:$0x1A000] =	vst v63  }
0x86: {  	s21 =	simm.s32 $0x14000  }
0x87: {  	[tilespmem:s21], [sflag:$0x5] =	stream.indirect_vreg.gather [hbm4b:s2+s3], $0x80, v3, vm0, $0xb8;
	[tilespmem:$0x1A000] =	vst v63  }
0x88: {  	s23 =	simm.s32 $0x14800  }
0x89: {  	[tilespmem:s23], [sflag:$0x5] =	stream.indirect_vreg.gather [hbm4b:s5+s3], $0x80, v3, vm0, $0xb8;
	[tilespmem:$0x1A000] =	vst v63  }
0x8a: {  	s10 =	simm.s32 $0x15000  }
0x8b: {  	[tilespmem:s10], [sflag:$0x5] =	stream.indirect_vreg.gather [hbm4b:s6+s3], $0x80, v3, vm0, $0xb8;
	[tilespmem:$0x1A000] =	vst v63  }
0x8c: {  	s11 =	simm.s32 $0x15800  }
0x8d: {  	[tilespmem:s11], [sflag:$0x5] =	stream.indirect_vreg.gather [hbm4b:s7+s3], $0x80, v3, vm0, $0xb8;
	[tilespmem:$0x1A000] =	vst v63  }
0x8e: {  	v3 =	vld [tilespmem:$0x280];
	_ =	sdelay $0x4  }
0x8f: {  	v63 =	vshll.u32 v3, $0x3  }
0x90: {  	v3 =	vand.u32 $0x7, v3;
	v4 =	vand.u32 $0xFFFFFFC0, v63  }
0x91: {  	v3 =	vor.u32 v3, v4  }
0x92: {  	v4 =	vperm.xlane v3, v0;
	_ =	sdelay $0x1  }
0x93: {  	v4 =	vadd.s32 v1, v4;
	_ =	sdelay $0x3  }
0x94: {  	s13 =	simm.s32 $0x16000  }
0x95: {  	[tilespmem:s13], [sflag:$0x6] =	stream.indirect_vreg.gather [hbm4b:s2+s3], $0x80, v4, vm0, $0xb8;
	[tilespmem:$0x1A000] =	vst v63  }
0x96: {  	s16 =	simm.s32 $0x16800;
	v3 =	vperm.xlane v3, v2  }
0x97: {  	[tilespmem:s16], [sflag:$0x6] =	stream.indirect_vreg.gather [hbm4b:s5+s3], $0x80, v4, vm0, $0xb8;
	[tilespmem:$0x1A000] =	vst v63  }
0x98: {  	s17 =	simm.s32 $0x17000;
	v3 =	vadd.s32 v1, v3  }
0x99: {  	[tilespmem:s17], [sflag:$0x6] =	stream.indirect_vreg.gather [hbm4b:s6+s3], $0x80, v4, vm0, $0xb8;
	[tilespmem:$0x1A000] =	vst v63  }
0x9a: {  	s18 =	simm.s32 $0x17800  }
0x9b: {  	[tilespmem:s18], [sflag:$0x6] =	stream.indirect_vreg.gather [hbm4b:s7+s3], $0x80, v4, vm0, $0xb8;
	[tilespmem:$0x1A000] =	vst v63  }
0x9c: {  	s19 =	simm.s32 $0x18000  }
0x9d: {  	[tilespmem:s19], [sflag:$0x6] =	stream.indirect_vreg.gather [hbm4b:s2+s3], $0x80, v3, vm0, $0xb8;
	[tilespmem:$0x1A000] =	vst v63  }
0x9e: {  	s9 =	simm.s32 $0x500;
	s20 =	simm.s32 $0x18800;
	s21 =	simm.s32 $0x19000  }
0x9f: {  	[tilespmem:s20], [sflag:$0x6] =	stream.indirect_vreg.gather [hbm4b:s5+s3], $0x80, v3, vm0, $0xb8;
	[tilespmem:$0x1A000] =	vst v63  }
0xa0: {  	s23 =	simm.s32 $0x19800;
	s10 =	simm.s32 $0x0;
	s16 =	simm.s32 $0x7800  }
0xa1: {  	[tilespmem:s21], [sflag:$0x6] =	stream.indirect_vreg.gather [hbm4b:s6+s3], $0x80, v3, vm0, $0xb8;
	[tilespmem:$0x1A000] =	vst v63  }
0xa2: {  	s17 =	simm.s32 $0x3800;
	s18 =	simm.s32 $0x4000;
	s19 =	simm.s32 $0x7000  }
0xa3: {  	[tilespmem:s23], [sflag:$0x6] =	stream.indirect_vreg.gather [hbm4b:s7+s3], $0x80, v3, vm0, $0xb8;
	[tilespmem:$0x1A000] =	vst v63  }
0xa4: {  	s20 =	simm.s32 $0x5000;
	s21 =	simm.s32 $0x5800;
	s23 =	simm.s32 $0x6800  }
.LBB2_2:
0xa5: {  	p0 =	seq.s32 s10, $0x0  }
0xa6: {  	s11 =	simm.s32 @!p0 $0xC  }
0xa7: {  	_ =	swait.ge @!p0 [sflag:s11], $0x4000  }
0xa8: {  	[sflag:s11] =	ssyncset.done @!p0 $0x0  }
0xa9: {  	[sflag:s11] =	ssyncadd.s32 @!p0 $0xFFFFC000  }
0xaa: {  	v3 =	vld @!p0 [tilespmem:s9+$0xFFFFFD80];
	_ =	sdelay $0x4  }
0xab: {  	v4 =	vshll.u32 @!p0 v3, $0x3  }
0xac: {  	v5 =	vlaneseq.u32 @!p0;
	v3 =	vand.u32 @!p0 $0x7, v3;
	v4 =	vand.u32 @!p0 $0xFFFFFFC0, v4  }
0xad: {  	v6 =	vshrl.u32 @!p0 v5, $0x3;
	v3 =	vor.u32 @!p0 v3, v4;
	v4 =	vand.u32 @!p0 $0x7, v5  }
0xae: {  	v6 =	vmul.u32 @!p0 $0x8, v6;
	v4 =	vperm.xlane @!p0 v3, v4;
	_ =	sdelay $0x1  }
0xaf: {  	v4 =	vadd.s32 @!p0 v6, v4;
	_ =	sdelay $0x3  }
0xb0: {  	vm1 =	vmmov @!p0 $0xffff;
	s13 =	simm.s32 @!p0 $0x16000;
	s11 =	simm.s32 @!p0 $0x0  }
0xb1: {  	v5 =	vor.u32 @!p0 $0x8, v5;
	[tilespmem:s13], [sflag:$0x6] =	stream.indirect_vreg.gather @!p0 [hbm4b:s2+s11], $0x80, v4, vm1, $0xb8;
	[tilespmem:$0x1A000] =	vst v63  }
0xb2: {  	v3 =	vperm.xlane @!p0 v3, v5;
	s13 =	simm.s32 @!p0 $0x16800  }
0xb3: {  	[tilespmem:s13], [sflag:$0x6] =	stream.indirect_vreg.gather @!p0 [hbm4b:s5+s11], $0x80, v4, vm1, $0xb8;
	[tilespmem:$0x1A000] =	vst v63  }
0xb4: {  	v3 =	vadd.s32 @!p0 v6, v3;
	s13 =	simm.s32 @!p0 $0x17000  }
0xb5: {  	[tilespmem:s13], [sflag:$0x6] =	stream.indirect_vreg.gather @!p0 [hbm4b:s6+s11], $0x80, v4, vm1, $0xb8;
	[tilespmem:$0x1A000] =	vst v63  }
0xb6: {  	s13 =	simm.s32 @!p0 $0x17800  }
0xb7: {  	[tilespmem:s13], [sflag:$0x6] =	stream.indirect_vreg.gather @!p0 [hbm4b:s7+s11], $0x80, v4, vm1, $0xb8;
	[tilespmem:$0x1A000] =	vst v63  }
0xb8: {  	s13 =	simm.s32 @!p0 $0x18000  }
0xb9: {  	[tilespmem:s13], [sflag:$0x6] =	stream.indirect_vreg.gather @!p0 [hbm4b:s2+s11], $0x80, v3, vm1, $0xb8;
	[tilespmem:$0x1A000] =	vst v63  }
0xba: {  	s13 =	simm.s32 @!p0 $0x18800  }
0xbb: {  	[tilespmem:s13], [sflag:$0x6] =	stream.indirect_vreg.gather @!p0 [hbm4b:s5+s11], $0x80, v3, vm1, $0xb8;
	[tilespmem:$0x1A000] =	vst v63  }
0xbc: {  	s13 =	simm.s32 @!p0 $0x19000  }
0xbd: {  	[tilespmem:s13], [sflag:$0x6] =	stream.indirect_vreg.gather @!p0 [hbm4b:s6+s11], $0x80, v3, vm1, $0xb8;
	[tilespmem:$0x1A000] =	vst v63  }
0xbe: {  	s13 =	simm.s32 @!p0 $0x19800  }
0xbf: {  	[tilespmem:s13], [sflag:$0x6] =	stream.indirect_vreg.gather @!p0 [hbm4b:s7+s11], $0x80, v3, vm1, $0xb8;
	[tilespmem:$0x1A000] =	vst v63  }
0xc0: {  	_ =	swait.ge [sflag:s24], $0x4000  }
0xc1: {  	s13 =	rddreg [dreg:$0x4];
	[sflag:s24] =	ssyncset.done $0x0  }
0xc2: {  	[sflag:s24] =	ssyncadd.s32 $0xFFFFC000;
	s11 =	sadd.s32 s10, s13  }
0xc3: {  	[hbm4b:s11+s3] =	stream.linear.scatter [tilespmem:s14], [sflag:$0x7], $0x4000, $0x38;
	[tilespmem:$0x1A000] =	vst v63  }
0xc4: {  	_ =	swait.ge [sflag:s25], $0x4000  }
0xc5: {  	[sflag:s25] =	ssyncset.done $0x0  }
0xc6: {  	[sflag:s25] =	ssyncadd.s32 $0xFFFFC000  }
0xc7: {  	v3 =	vld [tilespmem:s9+$0xFFFFFE00];
	_ =	sdelay $0x4  }
0xc8: {  	v60 =	vshll.u32 v3, $0x3  }
0xc9: {  	v3 =	vand.u32 $0x7, v3;
	v4 =	vand.u32 $0xFFFFFFC0, v60  }
0xca: {  	v3 =	vor.u32 v3, v4  }
0xcb: {  	v4 =	vperm.xlane v3, v0;
	_ =	sdelay $0x1  }
0xcc: {  	v4 =	vadd.s32 v1, v4;
	_ =	sdelay $0x4  }
0xcd: {  	[tilespmem:s14], [sflag:$0x1] =	stream.indirect_vreg.gather [hbm4b:s2+s3], $0x80, v4, vm0, $0xb8;
	[tilespmem:$0x1A000] =	vst v63  }
0xce: {  	v3 =	vperm.xlane v3, v2  }
0xcf: {  	[tilespmem:s15], [sflag:$0x1] =	stream.indirect_vreg.gather [hbm4b:s5+s3], $0x80, v4, vm0, $0xb8;
	[tilespmem:$0x1A000] =	vst v63  }
0xd0: {  	v3 =	vadd.s32 v1, v3;
	s15 =	simm.s32 $0x3000  }
0xd1: {  	[tilespmem:s15], [sflag:$0x1] =	stream.indirect_vreg.gather [hbm4b:s6+s3], $0x80, v4, vm0, $0xb8;
	[tilespmem:$0x1A000] =	vst v63  }
0xd2: {  	_ = 	snop  }
0xd3: {  	[tilespmem:s17], [sflag:$0x1] =	stream.indirect_vreg.gather [hbm4b:s7+s3], $0x80, v4, vm0, $0xb8;
	[tilespmem:$0x1A000] =	vst v63  }
0xd4: {  	_ = 	snop  }
0xd5: {  	[tilespmem:s18], [sflag:$0x1] =	stream.indirect_vreg.gather [hbm4b:s2+s3], $0x80, v3, vm0, $0xb8;
	[tilespmem:$0x1A000] =	vst v63  }
0xd6: {  	s15 =	simm.s32 $0x4800  }
0xd7: {  	[tilespmem:s15], [sflag:$0x1] =	stream.indirect_vreg.gather [hbm4b:s5+s3], $0x80, v3, vm0, $0xb8;
	[tilespmem:$0x1A000] =	vst v63  }
0xd8: {  	_ = 	snop  }
0xd9: {  	[tilespmem:s20], [sflag:$0x1] =	stream.indirect_vreg.gather [hbm4b:s6+s3], $0x80, v3, vm0, $0xb8;
	[tilespmem:$0x1A000] =	vst v63  }
0xda: {  	_ = 	snop  }
0xdb: {  	[tilespmem:s21], [sflag:$0x1] =	stream.indirect_vreg.gather [hbm4b:s7+s3], $0x80, v3, vm0, $0xb8;
	[tilespmem:$0x1A000] =	vst v63  }
0xdc: {  	_ =	swait.ge [sflag:s26], $0x4000  }
0xdd: {  	[sflag:s26] =	ssyncset.done $0x0  }
0xde: {  	s15 =	sadd.s32 $0x800, s11;
	[sflag:s26] =	ssyncadd.s32 $0xFFFFC000  }
0xdf: {  	[hbm4b:s15+s3] =	stream.linear.scatter [tilespmem:s22], [sflag:$0x8], $0x4000, $0x38;
	[tilespmem:$0x1A000] =	vst v63  }
0xe0: {  	_ =	swait.ge [sflag:s28], $0x4000  }
0xe1: {  	[sflag:s28] =	ssyncset.done $0x0  }
0xe2: {  	[sflag:s28] =	ssyncadd.s32 $0xFFFFC000  }
0xe3: {  	v3 =	vld [tilespmem:s9+$0xFFFFFE80];
	_ =	sdelay $0x4  }
0xe4: {  	v61 =	vshll.u32 v3, $0x3  }
0xe5: {  	v3 =	vand.u32 $0x7, v3;
	v4 =	vand.u32 $0xFFFFFFC0, v61  }
0xe6: {  	v3 =	vor.u32 v3, v4  }
0xe7: {  	v4 =	vperm.xlane v3, v0;
	_ =	sdelay $0x1  }
0xe8: {  	v4 =	vadd.s32 v1, v4;
	_ =	sdelay $0x4  }
0xe9: {  	[tilespmem:s22], [sflag:$0x2] =	stream.indirect_vreg.gather [hbm4b:s2+s3], $0x80, v4, vm0, $0xb8;
	[tilespmem:$0x1A000] =	vst v63  }
0xea: {  	v3 =	vperm.xlane v3, v2  }
0xeb: {  	[tilespmem:s23], [sflag:$0x2] =	stream.indirect_vreg.gather [hbm4b:s5+s3], $0x80, v4, vm0, $0xb8;
	[tilespmem:$0x1A000] =	vst v63  }
0xec: {  	v3 =	vadd.s32 v1, v3  }
0xed: {  	[tilespmem:s19], [sflag:$0x2] =	stream.indirect_vreg.gather [hbm4b:s6+s3], $0x80, v4, vm0, $0xb8;
	[tilespmem:$0x1A000] =	vst v63  }
0xee: {  	_ = 	snop  }
0xef: {  	[tilespmem:s16], [sflag:$0x2] =	stream.indirect_vreg.gather [hbm4b:s7+s3], $0x80, v4, vm0, $0xb8;
	[tilespmem:$0x1A000] =	vst v63  }
0xf0: {  	s15 =	simm.s32 $0x8000  }
0xf1: {  	[tilespmem:s15], [sflag:$0x2] =	stream.indirect_vreg.gather [hbm4b:s2+s3], $0x80, v3, vm0, $0xb8;
	[tilespmem:$0x1A000] =	vst v63  }
0xf2: {  	s15 =	simm.s32 $0x8800  }
0xf3: {  	[tilespmem:s15], [sflag:$0x2] =	stream.indirect_vreg.gather [hbm4b:s5+s3], $0x80, v3, vm0, $0xb8;
	[tilespmem:$0x1A000] =	vst v63  }
0xf4: {  	s15 =	simm.s32 $0x9000  }
0xf5: {  	[tilespmem:s15], [sflag:$0x2] =	stream.indirect_vreg.gather [hbm4b:s6+s3], $0x80, v3, vm0, $0xb8;
	[tilespmem:$0x1A000] =	vst v63  }
0xf6: {  	s15 =	simm.s32 $0x9800  }
0xf7: {  	[tilespmem:s15], [sflag:$0x2] =	stream.indirect_vreg.gather [hbm4b:s7+s3], $0x80, v3, vm0, $0xb8;
	[tilespmem:$0x1A000] =	vst v63  }
0xf8: {  	_ =	swait.ge [sflag:s29], $0x4000  }
0xf9: {  	s15 =	rddreg [dreg:$0x5];
	[sflag:s29] =	ssyncset.done $0x0  }
0xfa: {  	[sflag:s29] =	ssyncadd.s32 $0xFFFFC000;
	s13 =	sadd.s32 s10, s15  }
0xfb: {  	[hbm4b:s13+s3] =	stream.linear.scatter [tilespmem:s31], [sflag:$0x9], $0x4000, $0x38;
	[tilespmem:$0x1A000] =	vst v63  }
0xfc: {  	_ =	swait.ge [sflag:s30], $0x4000  }
0xfd: {  	[sflag:s30] =	ssyncset.done $0x0  }
0xfe: {  	[sflag:s30] =	ssyncadd.s32 $0xFFFFC000  }
0xff: {  	v3 =	vld [tilespmem:s9+$0xFFFFFF00];
	_ =	sdelay $0x4  }
0x100: {  	v62 =	vshll.u32 v3, $0x3  }
0x101: {  	v3 =	vand.u32 $0x7, v3;
	v4 =	vand.u32 $0xFFFFFFC0, v62  }
0x102: {  	v3 =	vor.u32 v3, v4  }
0x103: {  	v4 =	vperm.xlane v3, v0;
	_ =	sdelay $0x1  }
0x104: {  	v4 =	vadd.s32 v1, v4;
	_ =	sdelay $0x4  }
0x105: {  	[tilespmem:s31], [sflag:$0x3] =	stream.indirect_vreg.gather [hbm4b:s2+s3], $0x80, v4, vm0, $0xb8;
	[tilespmem:$0x1A000] =	vst v63  }
0x106: {  	s15 =	simm.s32 $0xA800;
	v3 =	vperm.xlane v3, v2  }
0x107: {  	[tilespmem:s15], [sflag:$0x3] =	stream.indirect_vreg.gather [hbm4b:s5+s3], $0x80, v4, vm0, $0xb8;
	[tilespmem:$0x1A000] =	vst v63  }
0x108: {  	v3 =	vadd.s32 v1, v3;
	s15 =	simm.s32 $0xB000  }
0x109: {  	[tilespmem:s15], [sflag:$0x3] =	stream.indirect_vreg.gather [hbm4b:s6+s3], $0x80, v4, vm0, $0xb8;
	[tilespmem:$0x1A000] =	vst v63  }
0x10a: {  	s15 =	simm.s32 $0xB800  }
0x10b: {  	[tilespmem:s15], [sflag:$0x3] =	stream.indirect_vreg.gather [hbm4b:s7+s3], $0x80, v4, vm0, $0xb8;
	[tilespmem:$0x1A000] =	vst v63  }
0x10c: {  	s15 =	simm.s32 $0xC000  }
0x10d: {  	[tilespmem:s15], [sflag:$0x3] =	stream.indirect_vreg.gather [hbm4b:s2+s3], $0x80, v3, vm0, $0xb8;
	[tilespmem:$0x1A000] =	vst v63  }
0x10e: {  	s15 =	simm.s32 $0xC800  }
0x10f: {  	[tilespmem:s15], [sflag:$0x3] =	stream.indirect_vreg.gather [hbm4b:s5+s3], $0x80, v3, vm0, $0xb8;
	[tilespmem:$0x1A000] =	vst v63  }
0x110: {  	s15 =	simm.s32 $0xD000  }
0x111: {  	[tilespmem:s15], [sflag:$0x3] =	stream.indirect_vreg.gather [hbm4b:s6+s3], $0x80, v3, vm0, $0xb8;
	[tilespmem:$0x1A000] =	vst v63  }
0x112: {  	s15 =	simm.s32 $0xD800  }
0x113: {  	[tilespmem:s15], [sflag:$0x3] =	stream.indirect_vreg.gather [hbm4b:s7+s3], $0x80, v3, vm0, $0xb8;
	[tilespmem:$0x1A000] =	vst v63  }
0x114: {  	_ =	swait.ge [sflag:s0], $0x4000  }
0x115: {  	s15 =	rddreg [dreg:$0x6];
	[sflag:s0] =	ssyncset.done $0x0  }
0x116: {  	[sflag:s0] =	ssyncadd.s32 $0xFFFFC000;
	s13 =	sadd.s32 s10, s15  }
0x117: {  	[hbm4b:s13+s3] =	stream.linear.scatter [tilespmem:s12], [sflag:$0xA], $0x4000, $0x38;
	[tilespmem:$0x1A000] =	vst v63  }
0x118: {  	_ =	swait.ge [sflag:s1], $0x4000  }
0x119: {  	[sflag:s1] =	ssyncset.done $0x0  }
0x11a: {  	[sflag:s1] =	ssyncadd.s32 $0xFFFFC000  }
0x11b: {  	v3 =	vld [tilespmem:s9+$0xFFFFFF80];
	_ =	sdelay $0x4  }
0x11c: {  	v63 =	vshll.u32 v3, $0x3  }
0x11d: {  	v3 =	vand.u32 $0x7, v3;
	v4 =	vand.u32 $0xFFFFFFC0, v63  }
0x11e: {  	v3 =	vor.u32 v3, v4  }
0x11f: {  	v4 =	vperm.xlane v3, v0;
	_ =	sdelay $0x1  }
0x120: {  	v4 =	vadd.s32 v1, v4;
	_ =	sdelay $0x4  }
0x121: {  	[tilespmem:s12], [sflag:$0x4] =	stream.indirect_vreg.gather [hbm4b:s2+s3], $0x80, v4, vm0, $0xb8;
	[tilespmem:$0x1A000] =	vst v63  }
0x122: {  	s15 =	simm.s32 $0xE800;
	v3 =	vperm.xlane v3, v2  }
0x123: {  	[tilespmem:s15], [sflag:$0x4] =	stream.indirect_vreg.gather [hbm4b:s5+s3], $0x80, v4, vm0, $0xb8;
	[tilespmem:$0x1A000] =	vst v63  }
0x124: {  	v3 =	vadd.s32 v1, v3;
	s15 =	simm.s32 $0xF000  }
0x125: {  	[tilespmem:s15], [sflag:$0x4] =	stream.indirect_vreg.gather [hbm4b:s6+s3], $0x80, v4, vm0, $0xb8;
	[tilespmem:$0x1A000] =	vst v63  }
0x126: {  	s15 =	simm.s32 $0xF800  }
0x127: {  	[tilespmem:s15], [sflag:$0x4] =	stream.indirect_vreg.gather [hbm4b:s7+s3], $0x80, v4, vm0, $0xb8;
	[tilespmem:$0x1A000] =	vst v63  }
0x128: {  	s15 =	simm.s32 $0x10000  }
0x129: {  	[tilespmem:s15], [sflag:$0x4] =	stream.indirect_vreg.gather [hbm4b:s2+s3], $0x80, v3, vm0, $0xb8;
	[tilespmem:$0x1A000] =	vst v63  }
0x12a: {  	s15 =	simm.s32 $0x10800  }
0x12b: {  	[tilespmem:s15], [sflag:$0x4] =	stream.indirect_vreg.gather [hbm4b:s5+s3], $0x80, v3, vm0, $0xb8;
	[tilespmem:$0x1A000] =	vst v63  }
0x12c: {  	s15 =	simm.s32 $0x11000  }
0x12d: {  	[tilespmem:s15], [sflag:$0x4] =	stream.indirect_vreg.gather [hbm4b:s6+s3], $0x80, v3, vm0, $0xb8;
	[tilespmem:$0x1A000] =	vst v63  }
0x12e: {  	s15 =	simm.s32 $0x11800  }
0x12f: {  	[tilespmem:s15], [sflag:$0x4] =	stream.indirect_vreg.gather [hbm4b:s7+s3], $0x80, v3, vm0, $0xb8;
	[tilespmem:$0x1A000] =	vst v63  }
0x130: {  	_ =	swait.ge [sflag:s4], $0x4000  }
0x131: {  	p0 =	seq.s32 s10, $0x1B000;
	s15 =	rddreg [dreg:$0x7];
	[sflag:s4] =	ssyncset.done $0x0  }
0x132: {  	[sflag:s4] =	ssyncadd.s32 $0xFFFFC000;
	s13 =	sadd.s32 s10, s15;
	s15 =	simm.s32 $0x12000  }
0x133: {  	[hbm4b:s13+s3] =	stream.linear.scatter [tilespmem:s15], [sflag:$0xB], $0x4000, $0x38;
	[tilespmem:$0x1A000] =	vst v63  }
0x134: {  	s13 =	simm.s32 @!p0 $0xB  }
0x135: {  	_ =	swait.ge @!p0 [sflag:s13], $0x4000  }
0x136: {  	[sflag:s13] =	ssyncset.done @!p0 $0x0  }
0x137: {  	[sflag:s13] =	ssyncadd.s32 @!p0 $0xFFFFC000  }
0x138: {  	v3 =	vld @!p0 [tilespmem:s9+$0x0];
	_ =	sdelay $0x4  }
0x139: {  	v4 =	vshll.u32 @!p0 v3, $0x3  }
0x13a: {  	v5 =	vlaneseq.u32 @!p0;
	v3 =	vand.u32 @!p0 $0x7, v3;
	v4 =	vand.u32 @!p0 $0xFFFFFFC0, v4  }
0x13b: {  	v6 =	vshrl.u32 @!p0 v5, $0x3;
	v3 =	vor.u32 @!p0 v3, v4;
	v4 =	vand.u32 @!p0 $0x7, v5  }
0x13c: {  	v6 =	vmul.u32 @!p0 $0x8, v6;
	v4 =	vperm.xlane @!p0 v3, v4;
	_ =	sdelay $0x1  }
0x13d: {  	v4 =	vadd.s32 @!p0 v6, v4;
	_ =	sdelay $0x3  }
0x13e: {  	vm1 =	vmmov @!p0 $0xffff;
	s15 =	simm.s32 @!p0 $0x12000;
	s13 =	simm.s32 @!p0 $0x0  }
0x13f: {  	v5 =	vor.u32 @!p0 $0x8, v5;
	[tilespmem:s15], [sflag:$0x5] =	stream.indirect_vreg.gather @!p0 [hbm4b:s2+s13], $0x80, v4, vm1, $0xb8;
	[tilespmem:$0x1A000] =	vst v63  }
0x140: {  	v3 =	vperm.xlane @!p0 v3, v5;
	s15 =	simm.s32 @!p0 $0x12800  }
0x141: {  	[tilespmem:s15], [sflag:$0x5] =	stream.indirect_vreg.gather @!p0 [hbm4b:s5+s13], $0x80, v4, vm1, $0xb8;
	[tilespmem:$0x1A000] =	vst v63  }
0x142: {  	v3 =	vadd.s32 @!p0 v6, v3;
	s15 =	simm.s32 @!p0 $0x13000  }
0x143: {  	[tilespmem:s15], [sflag:$0x5] =	stream.indirect_vreg.gather @!p0 [hbm4b:s6+s13], $0x80, v4, vm1, $0xb8;
	[tilespmem:$0x1A000] =	vst v63  }
0x144: {  	s15 =	simm.s32 @!p0 $0x13800  }
0x145: {  	[tilespmem:s15], [sflag:$0x5] =	stream.indirect_vreg.gather @!p0 [hbm4b:s7+s13], $0x80, v4, vm1, $0xb8;
	[tilespmem:$0x1A000] =	vst v63  }
0x146: {  	s15 =	simm.s32 @!p0 $0x14000  }
0x147: {  	[tilespmem:s15], [sflag:$0x5] =	stream.indirect_vreg.gather @!p0 [hbm4b:s2+s13], $0x80, v3, vm1, $0xb8;
	[tilespmem:$0x1A000] =	vst v63  }
0x148: {  	s15 =	simm.s32 @!p0 $0x14800  }
0x149: {  	[tilespmem:s15], [sflag:$0x5] =	stream.indirect_vreg.gather @!p0 [hbm4b:s5+s13], $0x80, v3, vm1, $0xb8;
	[tilespmem:$0x1A000] =	vst v63  }
0x14a: {  	s15 =	simm.s32 @!p0 $0x15000  }
0x14b: {  	[tilespmem:s15], [sflag:$0x5] =	stream.indirect_vreg.gather @!p0 [hbm4b:s6+s13], $0x80, v3, vm1, $0xb8;
	[tilespmem:$0x1A000] =	vst v63  }
0x14c: {  	s10 =	sadd.s32 $0x3000, s10;
	s15 =	simm.s32 @!p0 $0x15800  }
0x14d: {  	[tilespmem:s15], [sflag:$0x5] =	stream.indirect_vreg.gather @!p0 [hbm4b:s7+s13], $0x80, v3, vm1, $0xb8;
	[tilespmem:$0x1A000] =	vst v63  }
0x14e: {  	p0 =	sne.s32 s10, $0x1E000  }
.Ltmp0:
0x14f: {  	_ = 	snop;
	(pc) =	sbr.rel @p0 .LBB2_2-.Ltmp0, $4  }
0x150: {  	_ =	swait.ge [sflag:s8], $0x4000  }
0x151: {  	s11 =	sadd.s32 $0x2800, s11;
	s9 =	sadd.s32 $0x300, s9;
	[sflag:s8] =	ssyncset.done $0x0  }
0x152: {  	s15 =	simm.s32 $0x2800;
	s13 =	simm.s32 $0x16000;
	[sflag:s8] =	ssyncadd.s32 $0xFFFFC000  }
0x153: {  	[hbm4b:s11+s3] =	stream.linear.scatter [tilespmem:s13], [sflag:$0xC], $0x4000, $0x38;
	[tilespmem:$0x1A000] =	vst v63  }
0x154: {  	_ =	swait.ge [sflag:s24], $0x4000  }
0x155: {  	[sflag:s24] =	ssyncset.done $0x0  }
0x156: {  	s9 =	rddreg [dreg:$0x9];
	[sflag:s24] =	ssyncadd.s32 $0xFFFFC000  }
0x157: {  	[hbm4b:s9+s3] =	stream.linear.scatter [tilespmem:s14], [sflag:$0x7], $0x4000, $0x38;
	[tilespmem:$0x1A000] =	vst v63  }
0x158: {  	_ =	swait.ge [sflag:s26], $0x4000  }
0x159: {  	[sflag:s26] =	ssyncset.done $0x0  }
0x15a: {  	s18 =	rddreg [dreg:$0xa];
	[sflag:s26] =	ssyncadd.s32 $0xFFFFC000  }
0x15b: {  	[hbm4b:s18+s3] =	stream.linear.scatter [tilespmem:s22], [sflag:$0x8], $0x4000, $0x38;
	[tilespmem:$0x1A000] =	vst v63  }
0x15c: {  	_ =	swait.ge [sflag:s29], $0x4000  }
0x15d: {  	[sflag:s29] =	ssyncset.done $0x0  }
0x15e: {  	s19 =	rddreg [dreg:$0xb];
	[sflag:s29] =	ssyncadd.s32 $0xFFFFC000  }
0x15f: {  	[hbm4b:s19+s3] =	stream.linear.scatter [tilespmem:s31], [sflag:$0x9], $0x4000, $0x38;
	[tilespmem:$0x1A000] =	vst v63  }
0x160: {  	_ =	swait.ge [sflag:s0], $0x4000  }
0x161: {  	[sflag:s0] =	ssyncset.done $0x0  }
0x162: {  	s20 =	rddreg [dreg:$0xc];
	[sflag:s0] =	ssyncadd.s32 $0xFFFFC000  }
0x163: {  	[hbm4b:s20+s3] =	stream.linear.scatter [tilespmem:s12], [sflag:$0xA], $0x4000, $0x38;
	[tilespmem:$0x1A000] =	vst v63  }
0x164: {  	_ =	swait.ge [sflag:s25], $0x4000  }
0x165: {  	[sflag:s25] =	ssyncset.done $0x0  }
0x166: {  	[sflag:s25] =	ssyncadd.s32 $0xFFFFC000  }
0x167: {  	_ =	swait.ge [sflag:s28], $0x4000  }
0x168: {  	[sflag:s28] =	ssyncset.done $0x0  }
0x169: {  	[sflag:s28] =	ssyncadd.s32 $0xFFFFC000  }
0x16a: {  	_ =	swait.ge [sflag:s30], $0x4000  }
0x16b: {  	[sflag:s30] =	ssyncset.done $0x0  }
0x16c: {  	[sflag:s30] =	ssyncadd.s32 $0xFFFFC000  }
0x16d: {  	_ =	swait.ge [sflag:s1], $0x4000  }
0x16e: {  	[sflag:s1] =	ssyncset.done $0x0  }
0x16f: {  	s21 =	simm.s32 $0xB;
	[sflag:s1] =	ssyncadd.s32 $0xFFFFC000  }
0x170: {  	_ =	swait.ge [sflag:s21], $0x4000  }
0x171: {  	[sflag:s21] =	ssyncset.done $0x0  }
0x172: {  	s10 =	simm.s32 $0xC;
	[sflag:s21] =	ssyncadd.s32 $0xFFFFC000  }
0x173: {  	_ =	swait.ge [sflag:s10], $0x4000  }
0x174: {  	s11 =	rddreg [dreg:$0xe]  }
0x175: {  	s23 =	rddreg [dreg:$0xd];
	s11 =	sadd.s32 $0x1, s11  }
0x176: {  	p0 =	sne.s32 s11, s23  }
.Ltmp1:
0x177: {  	s13 =	simm.s32 $0x4000;
	(pc) =	sbr.rel @p0 .LBB2_1-.Ltmp1, $4  }
0x178: {  	s16 =	simm.s32 $0x4800;
	s17 =	simm.s32 $0x5000;
	s18 =	simm.s32 $0x5800  }
0x179: {  	s19 =	simm.s32 $0x6800;
	s20 =	simm.s32 $0x7000;
	[sflag:s10] =	ssyncset.done $0x0  }
0x17a: {  	s21 =	simm.s32 $0x7800;
	[sflag:s10] =	ssyncadd.s32 $0xFFFFC000;
	s10 =	simm.s32 $0x3000  }
0x17b: {  	[dreg:$0xe] =	wrdreg s11;
	s11 =	simm.s32 $0x3800;
	s23 =	simm.s32 $0x8000  }
0x17c: {  	_ =	sfence.sel $0x180000  }
0x17d: {  	[bflag:$0x0] =	sbarrier.arrive $0xFFFF  }
0x17e: {  	_ =	strace $0x90000047  }
0x17f: {  	s0 =	stileid.u32;
	[bflag:$0x2] =	sbarrier.arrive $0xFFFF  }
0x180: {  	p0 =	sne.s32 s0, $0x0;
	s0 =	rddreg [dreg:$0x3]  }
0x181: {  	s0 =	sadd.s32 @!p0 $0x100000, s0  }
0x182: {  	[sflag:s0] =	ssyncadd.tile.s32 @!p0 $0x1;
	_ =	shalt  }
.Lfunc_end2:
_tile_overlayer_lowered:
.L_overlay_start_2:
0x183: {  	(tag) =	ssettag $0x2  }
0x184: {  	s0 =	rddreg [dreg:$0x0];
	s2 =	stileid.u32  }
0x185: {  	s1 =	rddreg [dreg:$0x1];
	p0 =	sne.s32 s2, $0x0  }
0x186: {  	s3 =	rddreg [dreg:$0x2];
	[bflag:$0x3] =	sbarrier.arrive $0xFFFF;
	s2 =	simm.s32 @!p0 $0x1C0D  }
0x187: {  	[timem:s3], [sflag:s2] =	dma.local @!p0 [hbm:s0], s1  }
0x188: {  	s0 =	simm.s32 @!p0 $0xD  }
0x189: {  	_ =	swait.ge @!p0 [sflag:s0], s1  }
0x18a: {  	s1 =	ssub.s32 @!p0 $0x0, s1;
	[sflag:s0] =	ssyncset.done @!p0 $0x0  }
0x18b: {  	[sflag:s0] =	ssyncadd.s32 @!p0 s1  }
0x18c: {  	[bflag:$0x3] =	sbarrier.arrive $0xFFFF  }
0x18d: {  	_ =	shalt  }

</sc_bundles>
